<compile_context>
chip_gen: v7x
topology: tpu7x:2x2x1
jax: 0.10.2.dev20260603
libtpu: 0.0.44.dev20260713+nightly
codegen_flags: <defaults>
</compile_context>

<pallas_src>
import functools

import jax
import jax.numpy as jnp
from jax import lax
from jax.experimental import pallas as pl
from jax.experimental.pallas import tpu as pltpu
from jax.experimental.pallas import tpu_sc as plsc

_ROWS = 16384
_COLS = 26
_DIM = 3
_TABLE_ROWS = 10
_NW = 32
_CHUNK = _ROWS // _NW
_NVEC = _CHUNK // 16


def _vperm(table16, idx16):
    dnums = lax.GatherDimensionNumbers(
        offset_dims=(), collapsed_slice_dims=(0,), start_index_map=(0,)
    )
    return lax.gather(
        table16,
        idx16[:, None],
        dimension_numbers=dnums,
        slice_sizes=(1,),
        mode=lax.GatherScatterMode.PROMISE_IN_BOUNDS,
    )


@functools.partial(
    pl.kernel,
    out_type=jax.ShapeDtypeStruct((_DIM, _COLS, _ROWS), jnp.float32),
    mesh=plsc.VectorSubcoreMesh(core_axis_name="c", subcore_axis_name="s"),
    compiler_params=pltpu.CompilerParams(
        needs_layout_passes=False,
        disable_bounds_checks=True,
        disable_semaphore_checks=True,
    ),
    scratch_types=[
        pltpu.VMEM((_COLS, _CHUNK), jnp.int32),
        pltpu.VMEM((_DIM, _COLS, _CHUNK), jnp.float32),
        pltpu.VMEM((_DIM * 16,), jnp.float32),
        pltpu.SemaphoreType.DMA,
        pltpu.SemaphoreType.DMA,
        pltpu.SemaphoreType.DMA,
        pltpu.SemaphoreType.DMA,
    ],
)
def _sc_lookup(x_hbm, w_hbm, out_hbm, idx_v, out_v, w_v, s0, s1, s2, s3):
    wid = lax.axis_index("s") * 2 + lax.axis_index("c")
    base = wid * _CHUNK
    half = _CHUNK // 2
    in0 = pltpu.async_copy(
        x_hbm.at[:, pl.ds(base, half)], idx_v.at[:, pl.ds(0, half)], s0)
    in1 = pltpu.async_copy(
        x_hbm.at[:, pl.ds(base + half, half)],
        idx_v.at[:, pl.ds(half, half)], s1)
    pltpu.sync_copy(w_hbm, w_v)
    w_cols = [w_v[pl.ds(d * 16, 16)] for d in range(_DIM)]

    def make_col(v_lo, v_hi):
        def col(j, carry):
            for v in range(v_lo, v_hi):
                idx = idx_v[j, pl.ds(v * 16, 16)]
                for d in range(_DIM):
                    out_v[d, j, pl.ds(v * 16, 16)] = _vperm(w_cols[d], idx)
            return carry
        return col

    in0.wait()
    lax.fori_loop(0, _COLS, make_col(0, _NVEC // 2), 0)
    out0 = pltpu.async_copy(
        out_v.at[:, :, pl.ds(0, half)],
        out_hbm.at[:, :, pl.ds(base, half)], s2)
    in1.wait()
    lax.fori_loop(0, _COLS, make_col(_NVEC // 2, _NVEC), 0)
    out1 = pltpu.async_copy(
        out_v.at[:, :, pl.ds(half, half)],
        out_hbm.at[:, :, pl.ds(base + half, half)], s3)
    out0.wait()
    out1.wait()


def kernel(x, W):
    xt = x.T.astype(jnp.int32)
    wt = jnp.pad(W.T, ((0, 0), (0, 16 - _TABLE_ROWS))).reshape(-1)
    out = _sc_lookup(xt, wt)
    return out.transpose(2, 1, 0)

# --- scband reference (transcript-rebuilt; emitter-appended) ---
"""Pipeline reference for scband-model-22806276342157 (READ-ONLY COPY).

The authoritative reference and input builder live on the scoring server;
editing this copy changes nothing except your own understanding.
"""

import jax, jax.numpy as jnp
import numpy as np

NUM_EMBEDDINGS = 10
EMBED_DIM = 3

def setup_inputs(seed: int = 0) -> dict:
    key = jax.random.key(seed)
    k_idx, k_w = jax.random.split(key)
    x = jax.random.randint(k_idx, (16384, 26), 0, NUM_EMBEDDINGS, dtype=jnp.int64 if jax.config.jax_enable_x64 else jnp.int32)
    # torch nn.Embedding default init: N(0, 1)
    W = jax.random.normal(k_w, (NUM_EMBEDDINGS, EMBED_DIM), dtype=jnp.float32)
    return {"x": x, "W": W}

def reference(x, W):
    # nn.Embedding lookup: gather rows of W by index
    return jnp.take(W, x, axis=0)

if __name__ == "__main__":
    import jax
    _d = setup_inputs()
    print(jax.jit(kernel)(*tuple(_d.values())))

</pallas_src>

<mosaic_0001>
#map = affine_map<(d0, d1) -> (0, 0)>
#map1 = affine_map<(d0, d1) -> (0)>
#map2 = affine_map<(d0, d1) -> (0, 0, 0)>
module attributes {stable_mosaic.version = 14 : i64} {
  func.func @_sc_lookup(%arg0: i32, %arg1: i32, %arg2: memref<26x16384xi32, #tpu.memory_space<hbm>>, %arg3: memref<48xf32, #tpu.memory_space<hbm>>, %arg4: memref<3x26x16384xf32, #tpu.memory_space<hbm>>, %arg5: memref<26x512xi32, #tpu.memory_space<vmem>>, %arg6: memref<3x26x512xf32, #tpu.memory_space<vmem>>, %arg7: memref<48xf32, #tpu.memory_space<vmem>>, %arg8: memref<!tpu.dma_semaphore, #tpu.memory_space<semaphore_mem>>, %arg9: memref<!tpu.dma_semaphore, #tpu.memory_space<semaphore_mem>>, %arg10: memref<!tpu.dma_semaphore, #tpu.memory_space<semaphore_mem>>, %arg11: memref<!tpu.dma_semaphore, #tpu.memory_space<semaphore_mem>>) attributes {dimension_semantics = [#tpu.dimension_semantics<core_parallel>, #tpu.dimension_semantics<subcore_parallel>], iteration_bounds = array<i64: 2, 16>, scalar_prefetch = 0 : i64, scratch_operands = 7 : i64, tpu.core_type = #tpu.core_type<sc_vector_subcore>, window_params = [{transform_indices = #map}, {transform_indices = #map1}, {transform_indices = #map2}]} {
    %mul3A = arith.constant 2 : i32
    %mul3A_0 = arith.muli %arg1, %mul3A : i32
    %add3A = arith.addi %mul3A_0, %arg0 : i32
    %mul3A_1 = arith.constant 512 : i32
    %mul3A_2 = arith.muli %add3A, %mul3A_1 : i32
    %dma_start3A = arith.constant 0 : i32
    %dma_start3A_3 = arith.constant 0 : i32
    %dma_start3A_4 = tpu.memref_slice %arg5[%dma_start3A, %dma_start3A_3] : memref<26x512xi32, #tpu.memory_space<vmem>> -> memref<26x256xi32, #tpu.memory_space<vmem>>
    %dma_start3A_5 = arith.constant 0 : i32
    %dma_start3A_6 = tpu.memref_slice %arg2[%dma_start3A_5, %mul3A_2] : memref<26x16384xi32, #tpu.memory_space<hbm>> -> memref<26x256xi32, #tpu.memory_space<hbm>>
    %dma_start3A_7 = arith.constant 0 : i32
    %dma_start3A_8 = arith.constant 0 : i32
    %dma_start3A_9 = tpu.memref_slice %arg5[%dma_start3A_7, %dma_start3A_8] : memref<26x512xi32, #tpu.memory_space<vmem>> -> memref<26x256xi32, #tpu.memory_space<vmem>>
    %dma_start3A_10 = arith.constant 0 : i32
    %dma_start3A_11 = tpu.memref_slice %arg2[%dma_start3A_10, %mul3A_2] : memref<26x16384xi32, #tpu.memory_space<hbm>> -> memref<26x256xi32, #tpu.memory_space<hbm>>
    tpu.enqueue_dma source(%dma_start3A_11 : memref<26x256xi32, #tpu.memory_space<hbm>>) target(%dma_start3A_9 : memref<26x256xi32, #tpu.memory_space<vmem>>) target_semaphore(%arg8 : memref<!tpu.dma_semaphore, #tpu.memory_space<semaphore_mem>>)
    %add3A_12 = arith.constant 256 : i32
    %add3A_13 = arith.addi %mul3A_2, %add3A_12 : i32
    %dma_start3A_14 = arith.constant 0 : i32
    %dma_start3A_15 = arith.constant 256 : i32
    %dma_start3A_16 = tpu.memref_slice %arg5[%dma_start3A_14, %dma_start3A_15] : memref<26x512xi32, #tpu.memory_space<vmem>> -> memref<26x256xi32, #tpu.memory_space<vmem>>
    %dma_start3A_17 = arith.constant 0 : i32
    %dma_start3A_18 = tpu.memref_slice %arg2[%dma_start3A_17, %add3A_13] : memref<26x16384xi32, #tpu.memory_space<hbm>> -> memref<26x256xi32, #tpu.memory_space<hbm>>
    %dma_start3A_19 = arith.constant 0 : i32
    %dma_start3A_20 = arith.constant 256 : i32
    %dma_start3A_21 = tpu.memref_slice %arg5[%dma_start3A_19, %dma_start3A_20] : memref<26x512xi32, #tpu.memory_space<vmem>> -> memref<26x256xi32, #tpu.memory_space<vmem>>
    %dma_start3A_22 = arith.constant 0 : i32
    %dma_start3A_23 = tpu.memref_slice %arg2[%dma_start3A_22, %add3A_13] : memref<26x16384xi32, #tpu.memory_space<hbm>> -> memref<26x256xi32, #tpu.memory_space<hbm>>
    tpu.enqueue_dma source(%dma_start3A_23 : memref<26x256xi32, #tpu.memory_space<hbm>>) target(%dma_start3A_21 : memref<26x256xi32, #tpu.memory_space<vmem>>) target_semaphore(%arg9 : memref<!tpu.dma_semaphore, #tpu.memory_space<semaphore_mem>>)
    "tpu.region"() ({
      %run_scoped3A = tpu.sem_alloc : memref<!tpu.dma_semaphore, #tpu.memory_space<semaphore_mem>>
      tpu.enqueue_dma source(%arg3 : memref<48xf32, #tpu.memory_space<hbm>>) target(%arg7 : memref<48xf32, #tpu.memory_space<vmem>>) target_semaphore(%run_scoped3A : memref<!tpu.dma_semaphore, #tpu.memory_space<semaphore_mem>>)
      tpu.wait_dma2 semaphore(%run_scoped3A : memref<!tpu.dma_semaphore, #tpu.memory_space<semaphore_mem>>) src(%arg3 : memref<48xf32, #tpu.memory_space<hbm>>) dst(%arg7 : memref<48xf32, #tpu.memory_space<vmem>>)
      tpu.yield
    }) : () -> ()
    %get3A = arith.constant 0 : index
    %get3A_24 = tpu.vector_load %arg7[%get3A] {strides = array<i32>} : memref<48xf32, #tpu.memory_space<vmem>>, vector<16xf32>,
    %get3A_25 = arith.constant 16 : index
    %get3A_26 = tpu.vector_load %arg7[%get3A_25] {strides = array<i32>} : memref<48xf32, #tpu.memory_space<vmem>>, vector<16xf32>,
    %get3A_27 = arith.constant 32 : index
    %get3A_28 = tpu.vector_load %arg7[%get3A_27] {strides = array<i32>} : memref<48xf32, #tpu.memory_space<vmem>>, vector<16xf32>,
    %dma_wait3A = arith.constant 0 : i32
    %dma_wait3A_29 = arith.constant 0 : i32
    %dma_wait3A_30 = tpu.memref_slice %arg5[%dma_wait3A, %dma_wait3A_29] : memref<26x512xi32, #tpu.memory_space<vmem>> -> memref<26x256xi32, #tpu.memory_space<vmem>>
    %dma_wait3A_31 = arith.constant 0 : i32
    %dma_wait3A_32 = tpu.memref_slice %arg2[%dma_wait3A_31, %mul3A_2] : memref<26x16384xi32, #tpu.memory_space<hbm>> -> memref<26x256xi32, #tpu.memory_space<hbm>>
    %dma_wait3A_33 = arith.constant 0 : i32
    %dma_wait3A_34 = arith.constant 0 : i32
    %dma_wait3A_35 = tpu.memref_slice %arg5[%dma_wait3A_33, %dma_wait3A_34] : memref<26x512xi32, #tpu.memory_space<vmem>> -> memref<26x256xi32, #tpu.memory_space<vmem>>
    %dma_wait3A_36 = arith.constant 0 : i32
    %dma_wait3A_37 = tpu.memref_slice %arg2[%dma_wait3A_36, %mul3A_2] : memref<26x16384xi32, #tpu.memory_space<hbm>> -> memref<26x256xi32, #tpu.memory_space<hbm>>
    tpu.wait_dma2 semaphore(%arg8 : memref<!tpu.dma_semaphore, #tpu.memory_space<semaphore_mem>>) src(%dma_wait3A_37 : memref<26x256xi32, #tpu.memory_space<hbm>>) dst(%dma_wait3A_35 : memref<26x256xi32, #tpu.memory_space<vmem>>)
    %scan3A = arith.constant 0 : i32
    %scan3A_38 = arith.constant 0 : i32
    %scan3A_39 = arith.constant 26 : i32
    %scan3A_40 = arith.addi %scan3A_38, %scan3A_39 : i32
    %scan3A_41 = arith.constant 1 : i32
    scf.for %scan3A_117 = %scan3A_38 to %scan3A_40 step %scan3A_41  : i32 {
      %get3A_118 = arith.index_cast %scan3A_117 : i32 to index
      %get3A_119 = arith.constant 0 : index
      %get3A_120 = tpu.vector_load %arg5[%get3A_118, %get3A_119] {strides = array<i32>} : memref<26x512xi32, #tpu.memory_space<vmem>>, vector<16xi32>,
      %broadcast_in_dim3A = vector.shape_cast %get3A_120 : vector<16xi32> to vector<16x1xi32>
      %gather3A = vector.shape_cast %broadcast_in_dim3A : vector<16x1xi32> to vector<16xi32>
      %gather3A_121 = tpu.dynamic_gather %get3A_24[%gather3A] in [0] : vector<16xf32>, vector<16xi32> -> vector<16xf32>
      %swap3A = arith.constant 0 : i32
      %swap3A_122 = arith.index_cast %swap3A : i32 to index
      %swap3A_123 = arith.index_cast %scan3A_117 : i32 to index
      %swap3A_124 = arith.constant 0 : index
      %swap3A_125 = tpu.vector_load %arg6[%swap3A_122, %swap3A_123, %swap3A_124] {strides = array<i32>} : memref<3x26x512xf32, #tpu.memory_space<vmem>>, vector<16xf32>,
      tpu.vector_store %arg6[%swap3A_122, %swap3A_123, %swap3A_124], %gather3A_121 {strides = array<i32>} : memref<3x26x512xf32, #tpu.memory_space<vmem>>, vector<16xf32>,
      %broadcast_in_dim3A_126 = vector.shape_cast %get3A_120 : vector<16xi32> to vector<16x1xi32>
      %gather3A_127 = vector.shape_cast %broadcast_in_dim3A_126 : vector<16x1xi32> to vector<16xi32>
      %gather3A_128 = tpu.dynamic_gather %get3A_26[%gather3A_127] in [0] : vector<16xf32>, vector<16xi32> -> vector<16xf32>
      %swap3A_129 = arith.constant 1 : i32
      %swap3A_130 = arith.index_cast %swap3A_129 : i32 to index
      %swap3A_131 = arith.index_cast %scan3A_117 : i32 to index
      %swap3A_132 = arith.constant 0 : index
      %swap3A_133 = tpu.vector_load %arg6[%swap3A_130, %swap3A_131, %swap3A_132] {strides = array<i32>} : memref<3x26x512xf32, #tpu.memory_space<vmem>>, vector<16xf32>,
      tpu.vector_store %arg6[%swap3A_130, %swap3A_131, %swap3A_132], %gather3A_128 {strides = array<i32>} : memref<3x26x512xf32, #tpu.memory_space<vmem>>, vector<16xf32>,
      %broadcast_in_dim3A_134 = vector.shape_cast %get3A_120 : vector<16xi32> to vector<16x1xi32>
      %gather3A_135 = vector.shape_cast %broadcast_in_dim3A_134 : vector<16x1xi32> to vector<16xi32>
      %gather3A_136 = tpu.dynamic_gather %get3A_28[%gather3A_135] in [0] : vector<16xf32>, vector<16xi32> -> vector<16xf32>
      %swap3A_137 = arith.constant 2 : i32
      %swap3A_138 = arith.index_cast %swap3A_137 : i32 to index
      %swap3A_139 = arith.index_cast %scan3A_117 : i32 to index
      %swap3A_140 = arith.constant 0 : index
      %swap3A_141 = tpu.vector_load %arg6[%swap3A_138, %swap3A_139, %swap3A_140] {strides = array<i32>} : memref<3x26x512xf32, #tpu.memory_space<vmem>>, vector<16xf32>,
      tpu.vector_store %arg6[%swap3A_138, %swap3A_139, %swap3A_140], %gather3A_136 {strides = array<i32>} : memref<3x26x512xf32, #tpu.memory_space<vmem>>, vector<16xf32>,
      %get3A_142 = arith.index_cast %scan3A_117 : i32 to index
      %get3A_143 = arith.constant 16 : index
      %get3A_144 = tpu.vector_load %arg5[%get3A_142, %get3A_143] {strides = array<i32>} : memref<26x512xi32, #tpu.memory_space<vmem>>, vector<16xi32>,
      %broadcast_in_dim3A_145 = vector.shape_cast %get3A_144 : vector<16xi32> to vector<16x1xi32>
      %gather3A_146 = vector.shape_cast %broadcast_in_dim3A_145 : vector<16x1xi32> to vector<16xi32>
      %gather3A_147 = tpu.dynamic_gather %get3A_24[%gather3A_146] in [0] : vector<16xf32>, vector<16xi32> -> vector<16xf32>
      %swap3A_148 = arith.constant 0 : i32
      %swap3A_149 = arith.index_cast %swap3A_148 : i32 to index
      %swap3A_150 = arith.index_cast %scan3A_117 : i32 to index
      %swap3A_151 = arith.constant 16 : index
      %swap3A_152 = tpu.vector_load %arg6[%swap3A_149, %swap3A_150, %swap3A_151] {strides = array<i32>} : memref<3x26x512xf32, #tpu.memory_space<vmem>>, vector<16xf32>,
      tpu.vector_store %arg6[%swap3A_149, %swap3A_150, %swap3A_151], %gather3A_147 {strides = array<i32>} : memref<3x26x512xf32, #tpu.memory_space<vmem>>, vector<16xf32>,
      %broadcast_in_dim3A_153 = vector.shape_cast %get3A_144 : vector<16xi32> to vector<16x1xi32>
      %gather3A_154 = vector.shape_cast %broadcast_in_dim3A_153 : vector<16x1xi32> to vector<16xi32>
      %gather3A_155 = tpu.dynamic_gather %get3A_26[%gather3A_154] in [0] : vector<16xf32>, vector<16xi32> -> vector<16xf32>
      %swap3A_156 = arith.constant 1 : i32
      %swap3A_157 = arith.index_cast %swap3A_156 : i32 to index
      %swap3A_158 = arith.index_cast %scan3A_117 : i32 to index
      %swap3A_159 = arith.constant 16 : index
      %swap3A_160 = tpu.vector_load %arg6[%swap3A_157, %swap3A_158, %swap3A_159] {strides = array<i32>} : memref<3x26x512xf32, #tpu.memory_space<vmem>>, vector<16xf32>,
      tpu.vector_store %arg6[%swap3A_157, %swap3A_158, %swap3A_159], %gather3A_155 {strides = array<i32>} : memref<3x26x512xf32, #tpu.memory_space<vmem>>, vector<16xf32>,
      %broadcast_in_dim3A_161 = vector.shape_cast %get3A_144 : vector<16xi32> to vector<16x1xi32>
      %gather3A_162 = vector.shape_cast %broadcast_in_dim3A_161 : vector<16x1xi32> to vector<16xi32>
      %gather3A_163 = tpu.dynamic_gather %get3A_28[%gather3A_162] in [0] : vector<16xf32>, vector<16xi32> -> vector<16xf32>
      %swap3A_164 = arith.constant 2 : i32
      %swap3A_165 = arith.index_cast %swap3A_164 : i32 to index
      %swap3A_166 = arith.index_cast %scan3A_117 : i32 to index
      %swap3A_167 = arith.constant 16 : index
      %swap3A_168 = tpu.vector_load %arg6[%swap3A_165, %swap3A_166, %swap3A_167] {strides = array<i32>} : memref<3x26x512xf32, #tpu.memory_space<vmem>>, vector<16xf32>,
      tpu.vector_store %arg6[%swap3A_165, %swap3A_166, %swap3A_167], %gather3A_163 {strides = array<i32>} : memref<3x26x512xf32, #tpu.memory_space<vmem>>, vector<16xf32>,
      %get3A_169 = arith.index_cast %scan3A_117 : i32 to index
      %get3A_170 = arith.constant 32 : index
      %get3A_171 = tpu.vector_load %arg5[%get3A_169, %get3A_170] {strides = array<i32>} : memref<26x512xi32, #tpu.memory_space<vmem>>, vector<16xi32>,
      %broadcast_in_dim3A_172 = vector.shape_cast %get3A_171 : vector<16xi32> to vector<16x1xi32>
      %gather3A_173 = vector.shape_cast %broadcast_in_dim3A_172 : vector<16x1xi32> to vector<16xi32>
      %gather3A_174 = tpu.dynamic_gather %get3A_24[%gather3A_173] in [0] : vector<16xf32>, vector<16xi32> -> vector<16xf32>
      %swap3A_175 = arith.constant 0 : i32
      %swap3A_176 = arith.index_cast %swap3A_175 : i32 to index
      %swap3A_177 = arith.index_cast %scan3A_117 : i32 to index
      %swap3A_178 = arith.constant 32 : index
      %swap3A_179 = tpu.vector_load %arg6[%swap3A_176, %swap3A_177, %swap3A_178] {strides = array<i32>} : memref<3x26x512xf32, #tpu.memory_space<vmem>>, vector<16xf32>,
      tpu.vector_store %arg6[%swap3A_176, %swap3A_177, %swap3A_178], %gather3A_174 {strides = array<i32>} : memref<3x26x512xf32, #tpu.memory_space<vmem>>, vector<16xf32>,
      %broadcast_in_dim3A_180 = vector.shape_cast %get3A_171 : vector<16xi32> to vector<16x1xi32>
      %gather3A_181 = vector.shape_cast %broadcast_in_dim3A_180 : vector<16x1xi32> to vector<16xi32>
      %gather3A_182 = tpu.dynamic_gather %get3A_26[%gather3A_181] in [0] : vector<16xf32>, vector<16xi32> -> vector<16xf32>
      %swap3A_183 = arith.constant 1 : i32
      %swap3A_184 = arith.index_cast %swap3A_183 : i32 to index
      %swap3A_185 = arith.index_cast %scan3A_117 : i32 to index
      %swap3A_186 = arith.constant 32 : index
      %swap3A_187 = tpu.vector_load %arg6[%swap3A_184, %swap3A_185, %swap3A_186] {strides = array<i32>} : memref<3x26x512xf32, #tpu.memory_space<vmem>>, vector<16xf32>,
      tpu.vector_store %arg6[%swap3A_184, %swap3A_185, %swap3A_186], %gather3A_182 {strides = array<i32>} : memref<3x26x512xf32, #tpu.memory_space<vmem>>, vector<16xf32>,
      %broadcast_in_dim3A_188 = vector.shape_cast %get3A_171 : vector<16xi32> to vector<16x1xi32>
      %gather3A_189 = vector.shape_cast %broadcast_in_dim3A_188 : vector<16x1xi32> to vector<16xi32>
      %gather3A_190 = tpu.dynamic_gather %get3A_28[%gather3A_189] in [0] : vector<16xf32>, vector<16xi32> -> vector<16xf32>
      %swap3A_191 = arith.constant 2 : i32
      %swap3A_192 = arith.index_cast %swap3A_191 : i32 to index
      %swap3A_193 = arith.index_cast %scan3A_117 : i32 to index
      %swap3A_194 = arith.constant 32 : index
      %swap3A_195 = tpu.vector_load %arg6[%swap3A_192, %swap3A_193, %swap3A_194] {strides = array<i32>} : memref<3x26x512xf32, #tpu.memory_space<vmem>>, vector<16xf32>,
      tpu.vector_store %arg6[%swap3A_192, %swap3A_193, %swap3A_194], %gather3A_190 {strides = array<i32>} : memref<3x26x512xf32, #tpu.memory_space<vmem>>, vector<16xf32>,
      %get3A_196 = arith.index_cast %scan3A_117 : i32 to index
      %get3A_197 = arith.constant 48 : index
      %get3A_198 = tpu.vector_load %arg5[%get3A_196, %get3A_197] {strides = array<i32>} : memref<26x512xi32, #tpu.memory_space<vmem>>, vector<16xi32>,
      %broadcast_in_dim3A_199 = vector.shape_cast %get3A_198 : vector<16xi32> to vector<16x1xi32>
      %gather3A_200 = vector.shape_cast %broadcast_in_dim3A_199 : vector<16x1xi32> to vector<16xi32>
      %gather3A_201 = tpu.dynamic_gather %get3A_24[%gather3A_200] in [0] : vector<16xf32>, vector<16xi32> -> vector<16xf32>
      %swap3A_202 = arith.constant 0 : i32
      %swap3A_203 = arith.index_cast %swap3A_202 : i32 to index
      %swap3A_204 = arith.index_cast %scan3A_117 : i32 to index
      %swap3A_205 = arith.constant 48 : index
      %swap3A_206 = tpu.vector_load %arg6[%swap3A_203, %swap3A_204, %swap3A_205] {strides = array<i32>} : memref<3x26x512xf32, #tpu.memory_space<vmem>>, vector<16xf32>,
      tpu.vector_store %arg6[%swap3A_203, %swap3A_204, %swap3A_205], %gather3A_201 {strides = array<i32>} : memref<3x26x512xf32, #tpu.memory_space<vmem>>, vector<16xf32>,
      %broadcast_in_dim3A_207 = vector.shape_cast %get3A_198 : vector<16xi32> to vector<16x1xi32>
      %gather3A_208 = vector.shape_cast %broadcast_in_dim3A_207 : vector<16x1xi32> to vector<16xi32>
      %gather3A_209 = tpu.dynamic_gather %get3A_26[%gather3A_208] in [0] : vector<16xf32>, vector<16xi32> -> vector<16xf32>
      %swap3A_210 = arith.constant 1 : i32
      %swap3A_211 = arith.index_cast %swap3A_210 : i32 to index
      %swap3A_212 = arith.index_cast %scan3A_117 : i32 to index
      %swap3A_213 = arith.constant 48 : index
      %swap3A_214 = tpu.vector_load %arg6[%swap3A_211, %swap3A_212, %swap3A_213] {strides = array<i32>} : memref<3x26x512xf32, #tpu.memory_space<vmem>>, vector<16xf32>,
      tpu.vector_store %arg6[%swap3A_211, %swap3A_212, %swap3A_213], %gather3A_209 {strides = array<i32>} : memref<3x26x512xf32, #tpu.memory_space<vmem>>, vector<16xf32>,
      %broadcast_in_dim3A_215 = vector.shape_cast %get3A_198 : vector<16xi32> to vector<16x1xi32>
      %gather3A_216 = vector.shape_cast %broadcast_in_dim3A_215 : vector<16x1xi32> to vector<16xi32>
      %gather3A_217 = tpu.dynamic_gather %get3A_28[%gather3A_216] in [0] : vector<16xf32>, vector<16xi32> -> vector<16xf32>
      %swap3A_218 = arith.constant 2 : i32
      %swap3A_219 = arith.index_cast %swap3A_218 : i32 to index
      %swap3A_220 = arith.index_cast %scan3A_117 : i32 to index
      %swap3A_221 = arith.constant 48 : index
      %swap3A_222 = tpu.vector_load %arg6[%swap3A_219, %swap3A_220, %swap3A_221] {strides = array<i32>} : memref<3x26x512xf32, #tpu.memory_space<vmem>>, vector<16xf32>,
      tpu.vector_store %arg6[%swap3A_219, %swap3A_220, %swap3A_221], %gather3A_217 {strides = array<i32>} : memref<3x26x512xf32, #tpu.memory_space<vmem>>, vector<16xf32>,
      %get3A_223 = arith.index_cast %scan3A_117 : i32 to index
      %get3A_224 = arith.constant 64 : index
      %get3A_225 = tpu.vector_load %arg5[%get3A_223, %get3A_224] {strides = array<i32>} : memref<26x512xi32, #tpu.memory_space<vmem>>, vector<16xi32>,
      %broadcast_in_dim3A_226 = vector.shape_cast %get3A_225 : vector<16xi32> to vector<16x1xi32>
      %gather3A_227 = vector.shape_cast %broadcast_in_dim3A_226 : vector<16x1xi32> to vector<16xi32>
      %gather3A_228 = tpu.dynamic_gather %get3A_24[%gather3A_227] in [0] : vector<16xf32>, vector<16xi32> -> vector<16xf32>
      %swap3A_229 = arith.constant 0 : i32
      %swap3A_230 = arith.index_cast %swap3A_229 : i32 to index
      %swap3A_231 = arith.index_cast %scan3A_117 : i32 to index
      %swap3A_232 = arith.constant 64 : index
      %swap3A_233 = tpu.vector_load %arg6[%swap3A_230, %swap3A_231, %swap3A_232] {strides = array<i32>} : memref<3x26x512xf32, #tpu.memory_space<vmem>>, vector<16xf32>,
      tpu.vector_store %arg6[%swap3A_230, %swap3A_231, %swap3A_232], %gather3A_228 {strides = array<i32>} : memref<3x26x512xf32, #tpu.memory_space<vmem>>, vector<16xf32>,
      %broadcast_in_dim3A_234 = vector.shape_cast %get3A_225 : vector<16xi32> to vector<16x1xi32>
      %gather3A_235 = vector.shape_cast %broadcast_in_dim3A_234 : vector<16x1xi32> to vector<16xi32>
      %gather3A_236 = tpu.dynamic_gather %get3A_26[%gather3A_235] in [0] : vector<16xf32>, vector<16xi32> -> vector<16xf32>
      %swap3A_237 = arith.constant 1 : i32
      %swap3A_238 = arith.index_cast %swap3A_237 : i32 to index
      %swap3A_239 = arith.index_cast %scan3A_117 : i32 to index
      %swap3A_240 = arith.constant 64 : index
      %swap3A_241 = tpu.vector_load %arg6[%swap3A_238, %swap3A_239, %swap3A_240] {strides = array<i32>} : memref<3x26x512xf32, #tpu.memory_space<vmem>>, vector<16xf32>,
      tpu.vector_store %arg6[%swap3A_238, %swap3A_239, %swap3A_240], %gather3A_236 {strides = array<i32>} : memref<3x26x512xf32, #tpu.memory_space<vmem>>, vector<16xf32>,
      %broadcast_in_dim3A_242 = vector.shape_cast %get3A_225 : vector<16xi32> to vector<16x1xi32>
      %gather3A_243 = vector.shape_cast %broadcast_in_dim3A_242 : vector<16x1xi32> to vector<16xi32>
      %gather3A_244 = tpu.dynamic_gather %get3A_28[%gather3A_243] in [0] : vector<16xf32>, vector<16xi32> -> vector<16xf32>
      %swap3A_245 = arith.constant 2 : i32
      %swap3A_246 = arith.index_cast %swap3A_245 : i32 to index
      %swap3A_247 = arith.index_cast %scan3A_117 : i32 to index
      %swap3A_248 = arith.constant 64 : index
      %swap3A_249 = tpu.vector_load %arg6[%swap3A_246, %swap3A_247, %swap3A_248] {strides = array<i32>} : memref<3x26x512xf32, #tpu.memory_space<vmem>>, vector<16xf32>,
      tpu.vector_store %arg6[%swap3A_246, %swap3A_247, %swap3A_248], %gather3A_244 {strides = array<i32>} : memref<3x26x512xf32, #tpu.memory_space<vmem>>, vector<16xf32>,
      %get3A_250 = arith.index_cast %scan3A_117 : i32 to index
      %get3A_251 = arith.constant 80 : index
      %get3A_252 = tpu.vector_load %arg5[%get3A_250, %get3A_251] {strides = array<i32>} : memref<26x512xi32, #tpu.memory_space<vmem>>, vector<16xi32>,
      %broadcast_in_dim3A_253 = vector.shape_cast %get3A_252 : vector<16xi32> to vector<16x1xi32>
      %gather3A_254 = vector.shape_cast %broadcast_in_dim3A_253 : vector<16x1xi32> to vector<16xi32>
      %gather3A_255 = tpu.dynamic_gather %get3A_24[%gather3A_254] in [0] : vector<16xf32>, vector<16xi32> -> vector<16xf32>
      %swap3A_256 = arith.constant 0 : i32
      %swap3A_257 = arith.index_cast %swap3A_256 : i32 to index
      %swap3A_258 = arith.index_cast %scan3A_117 : i32 to index
      %swap3A_259 = arith.constant 80 : index
      %swap3A_260 = tpu.vector_load %arg6[%swap3A_257, %swap3A_258, %swap3A_259] {strides = array<i32>} : memref<3x26x512xf32, #tpu.memory_space<vmem>>, vector<16xf32>,
      tpu.vector_store %arg6[%swap3A_257, %swap3A_258, %swap3A_259], %gather3A_255 {strides = array<i32>} : memref<3x26x512xf32, #tpu.memory_space<vmem>>, vector<16xf32>,
      %broadcast_in_dim3A_261 = vector.shape_cast %get3A_252 : vector<16xi32> to vector<16x1xi32>
      %gather3A_262 = vector.shape_cast %broadcast_in_dim3A_261 : vector<16x1xi32> to vector<16xi32>
      %gather3A_263 = tpu.dynamic_gather %get3A_26[%gather3A_262] in [0] : vector<16xf32>, vector<16xi32> -> vector<16xf32>
      %swap3A_264 = arith.constant 1 : i32
      %swap3A_265 = arith.index_cast %swap3A_264 : i32 to index
      %swap3A_266 = arith.index_cast %scan3A_117 : i32 to index
      %swap3A_267 = arith.constant 80 : index
      %swap3A_268 = tpu.vector_load %arg6[%swap3A_265, %swap3A_266, %swap3A_267] {strides = array<i32>} : memref<3x26x512xf32, #tpu.memory_space<vmem>>, vector<16xf32>,
      tpu.vector_store %arg6[%swap3A_265, %swap3A_266, %swap3A_267], %gather3A_263 {strides = array<i32>} : memref<3x26x512xf32, #tpu.memory_space<vmem>>, vector<16xf32>,
      %broadcast_in_dim3A_269 = vector.shape_cast %get3A_252 : vector<16xi32> to vector<16x1xi32>
      %gather3A_270 = vector.shape_cast %broadcast_in_dim3A_269 : vector<16x1xi32> to vector<16xi32>
      %gather3A_271 = tpu.dynamic_gather %get3A_28[%gather3A_270] in [0] : vector<16xf32>, vector<16xi32> -> vector<16xf32>
      %swap3A_272 = arith.constant 2 : i32
      %swap3A_273 = arith.index_cast %swap3A_272 : i32 to index
      %swap3A_274 = arith.index_cast %scan3A_117 : i32 to index
      %swap3A_275 = arith.constant 80 : index
      %swap3A_276 = tpu.vector_load %arg6[%swap3A_273, %swap3A_274, %swap3A_275] {strides = array<i32>} : memref<3x26x512xf32, #tpu.memory_space<vmem>>, vector<16xf32>,
      tpu.vector_store %arg6[%swap3A_273, %swap3A_274, %swap3A_275], %gather3A_271 {strides = array<i32>} : memref<3x26x512xf32, #tpu.memory_space<vmem>>, vector<16xf32>,
      %get3A_277 = arith.index_cast %scan3A_117 : i32 to index
      %get3A_278 = arith.constant 96 : index
      %get3A_279 = tpu.vector_load %arg5[%get3A_277, %get3A_278] {strides = array<i32>} : memref<26x512xi32, #tpu.memory_space<vmem>>, vector<16xi32>,
      %broadcast_in_dim3A_280 = vector.shape_cast %get3A_279 : vector<16xi32> to vector<16x1xi32>
      %gather3A_281 = vector.shape_cast %broadcast_in_dim3A_280 : vector<16x1xi32> to vector<16xi32>
      %gather3A_282 = tpu.dynamic_gather %get3A_24[%gather3A_281] in [0] : vector<16xf32>, vector<16xi32> -> vector<16xf32>
      %swap3A_283 = arith.constant 0 : i32
      %swap3A_284 = arith.index_cast %swap3A_283 : i32 to index
      %swap3A_285 = arith.index_cast %scan3A_117 : i32 to index
      %swap3A_286 = arith.constant 96 : index
      %swap3A_287 = tpu.vector_load %arg6[%swap3A_284, %swap3A_285, %swap3A_286] {strides = array<i32>} : memref<3x26x512xf32, #tpu.memory_space<vmem>>, vector<16xf32>,
      tpu.vector_store %arg6[%swap3A_284, %swap3A_285, %swap3A_286], %gather3A_282 {strides = array<i32>} : memref<3x26x512xf32, #tpu.memory_space<vmem>>, vector<16xf32>,
      %broadcast_in_dim3A_288 = vector.shape_cast %get3A_279 : vector<16xi32> to vector<16x1xi32>
      %gather3A_289 = vector.shape_cast %broadcast_in_dim3A_288 : vector<16x1xi32> to vector<16xi32>
      %gather3A_290 = tpu.dynamic_gather %get3A_26[%gather3A_289] in [0] : vector<16xf32>, vector<16xi32> -> vector<16xf32>
      %swap3A_291 = arith.constant 1 : i32
      %swap3A_292 = arith.index_cast %swap3A_291 : i32 to index
      %swap3A_293 = arith.index_cast %scan3A_117 : i32 to index
      %swap3A_294 = arith.constant 96 : index
      %swap3A_295 = tpu.vector_load %arg6[%swap3A_292, %swap3A_293, %swap3A_294] {strides = array<i32>} : memref<3x26x512xf32, #tpu.memory_space<vmem>>, vector<16xf32>,
      tpu.vector_store %arg6[%swap3A_292, %swap3A_293, %swap3A_294], %gather3A_290 {strides = array<i32>} : memref<3x26x512xf32, #tpu.memory_space<vmem>>, vector<16xf32>,
      %broadcast_in_dim3A_296 = vector.shape_cast %get3A_279 : vector<16xi32> to vector<16x1xi32>
      %gather3A_297 = vector.shape_cast %broadcast_in_dim3A_296 : vector<16x1xi32> to vector<16xi32>
      %gather3A_298 = tpu.dynamic_gather %get3A_28[%gather3A_297] in [0] : vector<16xf32>, vector<16xi32> -> vector<16xf32>
      %swap3A_299 = arith.constant 2 : i32
      %swap3A_300 = arith.index_cast %swap3A_299 : i32 to index
      %swap3A_301 = arith.index_cast %scan3A_117 : i32 to index
      %swap3A_302 = arith.constant 96 : index
      %swap3A_303 = tpu.vector_load %arg6[%swap3A_300, %swap3A_301, %swap3A_302] {strides = array<i32>} : memref<3x26x512xf32, #tpu.memory_space<vmem>>, vector<16xf32>,
      tpu.vector_store %arg6[%swap3A_300, %swap3A_301, %swap3A_302], %gather3A_298 {strides = array<i32>} : memref<3x26x512xf32, #tpu.memory_space<vmem>>, vector<16xf32>,
      %get3A_304 = arith.index_cast %scan3A_117 : i32 to index
      %get3A_305 = arith.constant 112 : index
      %get3A_306 = tpu.vector_load %arg5[%get3A_304, %get3A_305] {strides = array<i32>} : memref<26x512xi32, #tpu.memory_space<vmem>>, vector<16xi32>,
      %broadcast_in_dim3A_307 = vector.shape_cast %get3A_306 : vector<16xi32> to vector<16x1xi32>
      %gather3A_308 = vector.shape_cast %broadcast_in_dim3A_307 : vector<16x1xi32> to vector<16xi32>
      %gather3A_309 = tpu.dynamic_gather %get3A_24[%gather3A_308] in [0] : vector<16xf32>, vector<16xi32> -> vector<16xf32>
      %swap3A_310 = arith.constant 0 : i32
      %swap3A_311 = arith.index_cast %swap3A_310 : i32 to index
      %swap3A_312 = arith.index_cast %scan3A_117 : i32 to index
      %swap3A_313 = arith.constant 112 : index
      %swap3A_314 = tpu.vector_load %arg6[%swap3A_311, %swap3A_312, %swap3A_313] {strides = array<i32>} : memref<3x26x512xf32, #tpu.memory_space<vmem>>, vector<16xf32>,
      tpu.vector_store %arg6[%swap3A_311, %swap3A_312, %swap3A_313], %gather3A_309 {strides = array<i32>} : memref<3x26x512xf32, #tpu.memory_space<vmem>>, vector<16xf32>,
      %broadcast_in_dim3A_315 = vector.shape_cast %get3A_306 : vector<16xi32> to vector<16x1xi32>
      %gather3A_316 = vector.shape_cast %broadcast_in_dim3A_315 : vector<16x1xi32> to vector<16xi32>
      %gather3A_317 = tpu.dynamic_gather %get3A_26[%gather3A_316] in [0] : vector<16xf32>, vector<16xi32> -> vector<16xf32>
      %swap3A_318 = arith.constant 1 : i32
      %swap3A_319 = arith.index_cast %swap3A_318 : i32 to index
      %swap3A_320 = arith.index_cast %scan3A_117 : i32 to index
      %swap3A_321 = arith.constant 112 : index
      %swap3A_322 = tpu.vector_load %arg6[%swap3A_319, %swap3A_320, %swap3A_321] {strides = array<i32>} : memref<3x26x512xf32, #tpu.memory_space<vmem>>, vector<16xf32>,
      tpu.vector_store %arg6[%swap3A_319, %swap3A_320, %swap3A_321], %gather3A_317 {strides = array<i32>} : memref<3x26x512xf32, #tpu.memory_space<vmem>>, vector<16xf32>,
      %broadcast_in_dim3A_323 = vector.shape_cast %get3A_306 : vector<16xi32> to vector<16x1xi32>
      %gather3A_324 = vector.shape_cast %broadcast_in_dim3A_323 : vector<16x1xi32> to vector<16xi32>
      %gather3A_325 = tpu.dynamic_gather %get3A_28[%gather3A_324] in [0] : vector<16xf32>, vector<16xi32> -> vector<16xf32>
      %swap3A_326 = arith.constant 2 : i32
      %swap3A_327 = arith.index_cast %swap3A_326 : i32 to index
      %swap3A_328 = arith.index_cast %scan3A_117 : i32 to index
      %swap3A_329 = arith.constant 112 : index
      %swap3A_330 = tpu.vector_load %arg6[%swap3A_327, %swap3A_328, %swap3A_329] {strides = array<i32>} : memref<3x26x512xf32, #tpu.memory_space<vmem>>, vector<16xf32>,
      tpu.vector_store %arg6[%swap3A_327, %swap3A_328, %swap3A_329], %gather3A_325 {strides = array<i32>} : memref<3x26x512xf32, #tpu.memory_space<vmem>>, vector<16xf32>,
      %get3A_331 = arith.index_cast %scan3A_117 : i32 to index
      %get3A_332 = arith.constant 128 : index
      %get3A_333 = tpu.vector_load %arg5[%get3A_331, %get3A_332] {strides = array<i32>} : memref<26x512xi32, #tpu.memory_space<vmem>>, vector<16xi32>,
      %broadcast_in_dim3A_334 = vector.shape_cast %get3A_333 : vector<16xi32> to vector<16x1xi32>
      %gather3A_335 = vector.shape_cast %broadcast_in_dim3A_334 : vector<16x1xi32> to vector<16xi32>
      %gather3A_336 = tpu.dynamic_gather %get3A_24[%gather3A_335] in [0] : vector<16xf32>, vector<16xi32> -> vector<16xf32>
      %swap3A_337 = arith.constant 0 : i32
      %swap3A_338 = arith.index_cast %swap3A_337 : i32 to index
      %swap3A_339 = arith.index_cast %scan3A_117 : i32 to index
      %swap3A_340 = arith.constant 128 : index
      %swap3A_341 = tpu.vector_load %arg6[%swap3A_338, %swap3A_339, %swap3A_340] {strides = array<i32>} : memref<3x26x512xf32, #tpu.memory_space<vmem>>, vector<16xf32>,
      tpu.vector_store %arg6[%swap3A_338, %swap3A_339, %swap3A_340], %gather3A_336 {strides = array<i32>} : memref<3x26x512xf32, #tpu.memory_space<vmem>>, vector<16xf32>,
      %broadcast_in_dim3A_342 = vector.shape_cast %get3A_333 : vector<16xi32> to vector<16x1xi32>
      %gather3A_343 = vector.shape_cast %broadcast_in_dim3A_342 : vector<16x1xi32> to vector<16xi32>
      %gather3A_344 = tpu.dynamic_gather %get3A_26[%gather3A_343] in [0] : vector<16xf32>, vector<16xi32> -> vector<16xf32>
      %swap3A_345 = arith.constant 1 : i32
      %swap3A_346 = arith.index_cast %swap3A_345 : i32 to index
      %swap3A_347 = arith.index_cast %scan3A_117 : i32 to index
      %swap3A_348 = arith.constant 128 : index
      %swap3A_349 = tpu.vector_load %arg6[%swap3A_346, %swap3A_347, %swap3A_348] {strides = array<i32>} : memref<3x26x512xf32, #tpu.memory_space<vmem>>, vector<16xf32>,
      tpu.vector_store %arg6[%swap3A_346, %swap3A_347, %swap3A_348], %gather3A_344 {strides = array<i32>} : memref<3x26x512xf32, #tpu.memory_space<vmem>>, vector<16xf32>,
      %broadcast_in_dim3A_350 = vector.shape_cast %get3A_333 : vector<16xi32> to vector<16x1xi32>
      %gather3A_351 = vector.shape_cast %broadcast_in_dim3A_350 : vector<16x1xi32> to vector<16xi32>
      %gather3A_352 = tpu.dynamic_gather %get3A_28[%gather3A_351] in [0] : vector<16xf32>, vector<16xi32> -> vector<16xf32>
      %swap3A_353 = arith.constant 2 : i32
      %swap3A_354 = arith.index_cast %swap3A_353 : i32 to index
      %swap3A_355 = arith.index_cast %scan3A_117 : i32 to index
      %swap3A_356 = arith.constant 128 : index
      %swap3A_357 = tpu.vector_load %arg6[%swap3A_354, %swap3A_355, %swap3A_356] {strides = array<i32>} : memref<3x26x512xf32, #tpu.memory_space<vmem>>, vector<16xf32>,
      tpu.vector_store %arg6[%swap3A_354, %swap3A_355, %swap3A_356], %gather3A_352 {strides = array<i32>} : memref<3x26x512xf32, #tpu.memory_space<vmem>>, vector<16xf32>,
      %get3A_358 = arith.index_cast %scan3A_117 : i32 to index
      %get3A_359 = arith.constant 144 : index
      %get3A_360 = tpu.vector_load %arg5[%get3A_358, %get3A_359] {strides = array<i32>} : memref<26x512xi32, #tpu.memory_space<vmem>>, vector<16xi32>,
      %broadcast_in_dim3A_361 = vector.shape_cast %get3A_360 : vector<16xi32> to vector<16x1xi32>
      %gather3A_362 = vector.shape_cast %broadcast_in_dim3A_361 : vector<16x1xi32> to vector<16xi32>
      %gather3A_363 = tpu.dynamic_gather %get3A_24[%gather3A_362] in [0] : vector<16xf32>, vector<16xi32> -> vector<16xf32>
      %swap3A_364 = arith.constant 0 : i32
      %swap3A_365 = arith.index_cast %swap3A_364 : i32 to index
      %swap3A_366 = arith.index_cast %scan3A_117 : i32 to index
      %swap3A_367 = arith.constant 144 : index
      %swap3A_368 = tpu.vector_load %arg6[%swap3A_365, %swap3A_366, %swap3A_367] {strides = array<i32>} : memref<3x26x512xf32, #tpu.memory_space<vmem>>, vector<16xf32>,
      tpu.vector_store %arg6[%swap3A_365, %swap3A_366, %swap3A_367], %gather3A_363 {strides = array<i32>} : memref<3x26x512xf32, #tpu.memory_space<vmem>>, vector<16xf32>,
      %broadcast_in_dim3A_369 = vector.shape_cast %get3A_360 : vector<16xi32> to vector<16x1xi32>
      %gather3A_370 = vector.shape_cast %broadcast_in_dim3A_369 : vector<16x1xi32> to vector<16xi32>
      %gather3A_371 = tpu.dynamic_gather %get3A_26[%gather3A_370] in [0] : vector<16xf32>, vector<16xi32> -> vector<16xf32>
      %swap3A_372 = arith.constant 1 : i32
      %swap3A_373 = arith.index_cast %swap3A_372 : i32 to index
      %swap3A_374 = arith.index_cast %scan3A_117 : i32 to index
      %swap3A_375 = arith.constant 144 : index
      %swap3A_376 = tpu.vector_load %arg6[%swap3A_373, %swap3A_374, %swap3A_375] {strides = array<i32>} : memref<3x26x512xf32, #tpu.memory_space<vmem>>, vector<16xf32>,
      tpu.vector_store %arg6[%swap3A_373, %swap3A_374, %swap3A_375], %gather3A_371 {strides = array<i32>} : memref<3x26x512xf32, #tpu.memory_space<vmem>>, vector<16xf32>,
      %broadcast_in_dim3A_377 = vector.shape_cast %get3A_360 : vector<16xi32> to vector<16x1xi32>
      %gather3A_378 = vector.shape_cast %broadcast_in_dim3A_377 : vector<16x1xi32> to vector<16xi32>
      %gather3A_379 = tpu.dynamic_gather %get3A_28[%gather3A_378] in [0] : vector<16xf32>, vector<16xi32> -> vector<16xf32>
      %swap3A_380 = arith.constant 2 : i32
      %swap3A_381 = arith.index_cast %swap3A_380 : i32 to index
      %swap3A_382 = arith.index_cast %scan3A_117 : i32 to index
      %swap3A_383 = arith.constant 144 : index
      %swap3A_384 = tpu.vector_load %arg6[%swap3A_381, %swap3A_382, %swap3A_383] {strides = array<i32>} : memref<3x26x512xf32, #tpu.memory_space<vmem>>, vector<16xf32>,
      tpu.vector_store %arg6[%swap3A_381, %swap3A_382, %swap3A_383], %gather3A_379 {strides = array<i32>} : memref<3x26x512xf32, #tpu.memory_space<vmem>>, vector<16xf32>,
      %get3A_385 = arith.index_cast %scan3A_117 : i32 to index
      %get3A_386 = arith.constant 160 : index
      %get3A_387 = tpu.vector_load %arg5[%get3A_385, %get3A_386] {strides = array<i32>} : memref<26x512xi32, #tpu.memory_space<vmem>>, vector<16xi32>,
      %broadcast_in_dim3A_388 = vector.shape_cast %get3A_387 : vector<16xi32> to vector<16x1xi32>
      %gather3A_389 = vector.shape_cast %broadcast_in_dim3A_388 : vector<16x1xi32> to vector<16xi32>
      %gather3A_390 = tpu.dynamic_gather %get3A_24[%gather3A_389] in [0] : vector<16xf32>, vector<16xi32> -> vector<16xf32>
      %swap3A_391 = arith.constant 0 : i32
      %swap3A_392 = arith.index_cast %swap3A_391 : i32 to index
      %swap3A_393 = arith.index_cast %scan3A_117 : i32 to index
      %swap3A_394 = arith.constant 160 : index
      %swap3A_395 = tpu.vector_load %arg6[%swap3A_392, %swap3A_393, %swap3A_394] {strides = array<i32>} : memref<3x26x512xf32, #tpu.memory_space<vmem>>, vector<16xf32>,
      tpu.vector_store %arg6[%swap3A_392, %swap3A_393, %swap3A_394], %gather3A_390 {strides = array<i32>} : memref<3x26x512xf32, #tpu.memory_space<vmem>>, vector<16xf32>,
      %broadcast_in_dim3A_396 = vector.shape_cast %get3A_387 : vector<16xi32> to vector<16x1xi32>
      %gather3A_397 = vector.shape_cast %broadcast_in_dim3A_396 : vector<16x1xi32> to vector<16xi32>
      %gather3A_398 = tpu.dynamic_gather %get3A_26[%gather3A_397] in [0] : vector<16xf32>, vector<16xi32> -> vector<16xf32>
      %swap3A_399 = arith.constant 1 : i32
      %swap3A_400 = arith.index_cast %swap3A_399 : i32 to index
      %swap3A_401 = arith.index_cast %scan3A_117 : i32 to index
      %swap3A_402 = arith.constant 160 : index
      %swap3A_403 = tpu.vector_load %arg6[%swap3A_400, %swap3A_401, %swap3A_402] {strides = array<i32>} : memref<3x26x512xf32, #tpu.memory_space<vmem>>, vector<16xf32>,
      tpu.vector_store %arg6[%swap3A_400, %swap3A_401, %swap3A_402], %gather3A_398 {strides = array<i32>} : memref<3x26x512xf32, #tpu.memory_space<vmem>>, vector<16xf32>,
      %broadcast_in_dim3A_404 = vector.shape_cast %get3A_387 : vector<16xi32> to vector<16x1xi32>
      %gather3A_405 = vector.shape_cast %broadcast_in_dim3A_404 : vector<16x1xi32> to vector<16xi32>
      %gather3A_406 = tpu.dynamic_gather %get3A_28[%gather3A_405] in [0] : vector<16xf32>, vector<16xi32> -> vector<16xf32>
      %swap3A_407 = arith.constant 2 : i32
      %swap3A_408 = arith.index_cast %swap3A_407 : i32 to index
      %swap3A_409 = arith.index_cast %scan3A_117 : i32 to index
      %swap3A_410 = arith.constant 160 : index
      %swap3A_411 = tpu.vector_load %arg6[%swap3A_408, %swap3A_409, %swap3A_410] {strides = array<i32>} : memref<3x26x512xf32, #tpu.memory_space<vmem>>, vector<16xf32>,
      tpu.vector_store %arg6[%swap3A_408, %swap3A_409, %swap3A_410], %gather3A_406 {strides = array<i32>} : memref<3x26x512xf32, #tpu.memory_space<vmem>>, vector<16xf32>,
      %get3A_412 = arith.index_cast %scan3A_117 : i32 to index
      %get3A_413 = arith.constant 176 : index
      %get3A_414 = tpu.vector_load %arg5[%get3A_412, %get3A_413] {strides = array<i32>} : memref<26x512xi32, #tpu.memory_space<vmem>>, vector<16xi32>,
      %broadcast_in_dim3A_415 = vector.shape_cast %get3A_414 : vector<16xi32> to vector<16x1xi32>
      %gather3A_416 = vector.shape_cast %broadcast_in_dim3A_415 : vector<16x1xi32> to vector<16xi32>
      %gather3A_417 = tpu.dynamic_gather %get3A_24[%gather3A_416] in [0] : vector<16xf32>, vector<16xi32> -> vector<16xf32>
      %swap3A_418 = arith.constant 0 : i32
      %swap3A_419 = arith.index_cast %swap3A_418 : i32 to index
      %swap3A_420 = arith.index_cast %scan3A_117 : i32 to index
      %swap3A_421 = arith.constant 176 : index
      %swap3A_422 = tpu.vector_load %arg6[%swap3A_419, %swap3A_420, %swap3A_421] {strides = array<i32>} : memref<3x26x512xf32, #tpu.memory_space<vmem>>, vector<16xf32>,
      tpu.vector_store %arg6[%swap3A_419, %swap3A_420, %swap3A_421], %gather3A_417 {strides = array<i32>} : memref<3x26x512xf32, #tpu.memory_space<vmem>>, vector<16xf32>,
      %broadcast_in_dim3A_423 = vector.shape_cast %get3A_414 : vector<16xi32> to vector<16x1xi32>
      %gather3A_424 = vector.shape_cast %broadcast_in_dim3A_423 : vector<16x1xi32> to vector<16xi32>
      %gather3A_425 = tpu.dynamic_gather %get3A_26[%gather3A_424] in [0] : vector<16xf32>, vector<16xi32> -> vector<16xf32>
      %swap3A_426 = arith.constant 1 : i32
      %swap3A_427 = arith.index_cast %swap3A_426 : i32 to index
      %swap3A_428 = arith.index_cast %scan3A_117 : i32 to index
      %swap3A_429 = arith.constant 176 : index
      %swap3A_430 = tpu.vector_load %arg6[%swap3A_427, %swap3A_428, %swap3A_429] {strides = array<i32>} : memref<3x26x512xf32, #tpu.memory_space<vmem>>, vector<16xf32>,
      tpu.vector_store %arg6[%swap3A_427, %swap3A_428, %swap3A_429], %gather3A_425 {strides = array<i32>} : memref<3x26x512xf32, #tpu.memory_space<vmem>>, vector<16xf32>,
      %broadcast_in_dim3A_431 = vector.shape_cast %get3A_414 : vector<16xi32> to vector<16x1xi32>
      %gather3A_432 = vector.shape_cast %broadcast_in_dim3A_431 : vector<16x1xi32> to vector<16xi32>
      %gather3A_433 = tpu.dynamic_gather %get3A_28[%gather3A_432] in [0] : vector<16xf32>, vector<16xi32> -> vector<16xf32>
      %swap3A_434 = arith.constant 2 : i32
      %swap3A_435 = arith.index_cast %swap3A_434 : i32 to index
      %swap3A_436 = arith.index_cast %scan3A_117 : i32 to index
      %swap3A_437 = arith.constant 176 : index
      %swap3A_438 = tpu.vector_load %arg6[%swap3A_435, %swap3A_436, %swap3A_437] {strides = array<i32>} : memref<3x26x512xf32, #tpu.memory_space<vmem>>, vector<16xf32>,
      tpu.vector_store %arg6[%swap3A_435, %swap3A_436, %swap3A_437], %gather3A_433 {strides = array<i32>} : memref<3x26x512xf32, #tpu.memory_space<vmem>>, vector<16xf32>,
      %get3A_439 = arith.index_cast %scan3A_117 : i32 to index
      %get3A_440 = arith.constant 192 : index
      %get3A_441 = tpu.vector_load %arg5[%get3A_439, %get3A_440] {strides = array<i32>} : memref<26x512xi32, #tpu.memory_space<vmem>>, vector<16xi32>,
      %broadcast_in_dim3A_442 = vector.shape_cast %get3A_441 : vector<16xi32> to vector<16x1xi32>
      %gather3A_443 = vector.shape_cast %broadcast_in_dim3A_442 : vector<16x1xi32> to vector<16xi32>
      %gather3A_444 = tpu.dynamic_gather %get3A_24[%gather3A_443] in [0] : vector<16xf32>, vector<16xi32> -> vector<16xf32>
      %swap3A_445 = arith.constant 0 : i32
      %swap3A_446 = arith.index_cast %swap3A_445 : i32 to index
      %swap3A_447 = arith.index_cast %scan3A_117 : i32 to index
      %swap3A_448 = arith.constant 192 : index
      %swap3A_449 = tpu.vector_load %arg6[%swap3A_446, %swap3A_447, %swap3A_448] {strides = array<i32>} : memref<3x26x512xf32, #tpu.memory_space<vmem>>, vector<16xf32>,
      tpu.vector_store %arg6[%swap3A_446, %swap3A_447, %swap3A_448], %gather3A_444 {strides = array<i32>} : memref<3x26x512xf32, #tpu.memory_space<vmem>>, vector<16xf32>,
      %broadcast_in_dim3A_450 = vector.shape_cast %get3A_441 : vector<16xi32> to vector<16x1xi32>
      %gather3A_451 = vector.shape_cast %broadcast_in_dim3A_450 : vector<16x1xi32> to vector<16xi32>
      %gather3A_452 = tpu.dynamic_gather %get3A_26[%gather3A_451] in [0] : vector<16xf32>, vector<16xi32> -> vector<16xf32>
      %swap3A_453 = arith.constant 1 : i32
      %swap3A_454 = arith.index_cast %swap3A_453 : i32 to index
      %swap3A_455 = arith.index_cast %scan3A_117 : i32 to index
      %swap3A_456 = arith.constant 192 : index
      %swap3A_457 = tpu.vector_load %arg6[%swap3A_454, %swap3A_455, %swap3A_456] {strides = array<i32>} : memref<3x26x512xf32, #tpu.memory_space<vmem>>, vector<16xf32>,
      tpu.vector_store %arg6[%swap3A_454, %swap3A_455, %swap3A_456], %gather3A_452 {strides = array<i32>} : memref<3x26x512xf32, #tpu.memory_space<vmem>>, vector<16xf32>,
      %broadcast_in_dim3A_458 = vector.shape_cast %get3A_441 : vector<16xi32> to vector<16x1xi32>
      %gather3A_459 = vector.shape_cast %broadcast_in_dim3A_458 : vector<16x1xi32> to vector<16xi32>
      %gather3A_460 = tpu.dynamic_gather %get3A_28[%gather3A_459] in [0] : vector<16xf32>, vector<16xi32> -> vector<16xf32>
      %swap3A_461 = arith.constant 2 : i32
      %swap3A_462 = arith.index_cast %swap3A_461 : i32 to index
      %swap3A_463 = arith.index_cast %scan3A_117 : i32 to index
      %swap3A_464 = arith.constant 192 : index
      %swap3A_465 = tpu.vector_load %arg6[%swap3A_462, %swap3A_463, %swap3A_464] {strides = array<i32>} : memref<3x26x512xf32, #tpu.memory_space<vmem>>, vector<16xf32>,
      tpu.vector_store %arg6[%swap3A_462, %swap3A_463, %swap3A_464], %gather3A_460 {strides = array<i32>} : memref<3x26x512xf32, #tpu.memory_space<vmem>>, vector<16xf32>,
      %get3A_466 = arith.index_cast %scan3A_117 : i32 to index
      %get3A_467 = arith.constant 208 : index
      %get3A_468 = tpu.vector_load %arg5[%get3A_466, %get3A_467] {strides = array<i32>} : memref<26x512xi32, #tpu.memory_space<vmem>>, vector<16xi32>,
      %broadcast_in_dim3A_469 = vector.shape_cast %get3A_468 : vector<16xi32> to vector<16x1xi32>
      %gather3A_470 = vector.shape_cast %broadcast_in_dim3A_469 : vector<16x1xi32> to vector<16xi32>
      %gather3A_471 = tpu.dynamic_gather %get3A_24[%gather3A_470] in [0] : vector<16xf32>, vector<16xi32> -> vector<16xf32>
      %swap3A_472 = arith.constant 0 : i32
      %swap3A_473 = arith.index_cast %swap3A_472 : i32 to index
      %swap3A_474 = arith.index_cast %scan3A_117 : i32 to index
      %swap3A_475 = arith.constant 208 : index
      %swap3A_476 = tpu.vector_load %arg6[%swap3A_473, %swap3A_474, %swap3A_475] {strides = array<i32>} : memref<3x26x512xf32, #tpu.memory_space<vmem>>, vector<16xf32>,
      tpu.vector_store %arg6[%swap3A_473, %swap3A_474, %swap3A_475], %gather3A_471 {strides = array<i32>} : memref<3x26x512xf32, #tpu.memory_space<vmem>>, vector<16xf32>,
      %broadcast_in_dim3A_477 = vector.shape_cast %get3A_468 : vector<16xi32> to vector<16x1xi32>
      %gather3A_478 = vector.shape_cast %broadcast_in_dim3A_477 : vector<16x1xi32> to vector<16xi32>
      %gather3A_479 = tpu.dynamic_gather %get3A_26[%gather3A_478] in [0] : vector<16xf32>, vector<16xi32> -> vector<16xf32>
      %swap3A_480 = arith.constant 1 : i32
      %swap3A_481 = arith.index_cast %swap3A_480 : i32 to index
      %swap3A_482 = arith.index_cast %scan3A_117 : i32 to index
      %swap3A_483 = arith.constant 208 : index
      %swap3A_484 = tpu.vector_load %arg6[%swap3A_481, %swap3A_482, %swap3A_483] {strides = array<i32>} : memref<3x26x512xf32, #tpu.memory_space<vmem>>, vector<16xf32>,
      tpu.vector_store %arg6[%swap3A_481, %swap3A_482, %swap3A_483], %gather3A_479 {strides = array<i32>} : memref<3x26x512xf32, #tpu.memory_space<vmem>>, vector<16xf32>,
      %broadcast_in_dim3A_485 = vector.shape_cast %get3A_468 : vector<16xi32> to vector<16x1xi32>
      %gather3A_486 = vector.shape_cast %broadcast_in_dim3A_485 : vector<16x1xi32> to vector<16xi32>
      %gather3A_487 = tpu.dynamic_gather %get3A_28[%gather3A_486] in [0] : vector<16xf32>, vector<16xi32> -> vector<16xf32>
      %swap3A_488 = arith.constant 2 : i32
      %swap3A_489 = arith.index_cast %swap3A_488 : i32 to index
      %swap3A_490 = arith.index_cast %scan3A_117 : i32 to index
      %swap3A_491 = arith.constant 208 : index
      %swap3A_492 = tpu.vector_load %arg6[%swap3A_489, %swap3A_490, %swap3A_491] {strides = array<i32>} : memref<3x26x512xf32, #tpu.memory_space<vmem>>, vector<16xf32>,
      tpu.vector_store %arg6[%swap3A_489, %swap3A_490, %swap3A_491], %gather3A_487 {strides = array<i32>} : memref<3x26x512xf32, #tpu.memory_space<vmem>>, vector<16xf32>,
      %get3A_493 = arith.index_cast %scan3A_117 : i32 to index
      %get3A_494 = arith.constant 224 : index
      %get3A_495 = tpu.vector_load %arg5[%get3A_493, %get3A_494] {strides = array<i32>} : memref<26x512xi32, #tpu.memory_space<vmem>>, vector<16xi32>,
      %broadcast_in_dim3A_496 = vector.shape_cast %get3A_495 : vector<16xi32> to vector<16x1xi32>
      %gather3A_497 = vector.shape_cast %broadcast_in_dim3A_496 : vector<16x1xi32> to vector<16xi32>
      %gather3A_498 = tpu.dynamic_gather %get3A_24[%gather3A_497] in [0] : vector<16xf32>, vector<16xi32> -> vector<16xf32>
      %swap3A_499 = arith.constant 0 : i32
      %swap3A_500 = arith.index_cast %swap3A_499 : i32 to index
      %swap3A_501 = arith.index_cast %scan3A_117 : i32 to index
      %swap3A_502 = arith.constant 224 : index
      %swap3A_503 = tpu.vector_load %arg6[%swap3A_500, %swap3A_501, %swap3A_502] {strides = array<i32>} : memref<3x26x512xf32, #tpu.memory_space<vmem>>, vector<16xf32>,
      tpu.vector_store %arg6[%swap3A_500, %swap3A_501, %swap3A_502], %gather3A_498 {strides = array<i32>} : memref<3x26x512xf32, #tpu.memory_space<vmem>>, vector<16xf32>,
      %broadcast_in_dim3A_504 = vector.shape_cast %get3A_495 : vector<16xi32> to vector<16x1xi32>
      %gather3A_505 = vector.shape_cast %broadcast_in_dim3A_504 : vector<16x1xi32> to vector<16xi32>
      %gather3A_506 = tpu.dynamic_gather %get3A_26[%gather3A_505] in [0] : vector<16xf32>, vector<16xi32> -> vector<16xf32>
      %swap3A_507 = arith.constant 1 : i32
      %swap3A_508 = arith.index_cast %swap3A_507 : i32 to index
      %swap3A_509 = arith.index_cast %scan3A_117 : i32 to index
      %swap3A_510 = arith.constant 224 : index
      %swap3A_511 = tpu.vector_load %arg6[%swap3A_508, %swap3A_509, %swap3A_510] {strides = array<i32>} : memref<3x26x512xf32, #tpu.memory_space<vmem>>, vector<16xf32>,
      tpu.vector_store %arg6[%swap3A_508, %swap3A_509, %swap3A_510], %gather3A_506 {strides = array<i32>} : memref<3x26x512xf32, #tpu.memory_space<vmem>>, vector<16xf32>,
      %broadcast_in_dim3A_512 = vector.shape_cast %get3A_495 : vector<16xi32> to vector<16x1xi32>
      %gather3A_513 = vector.shape_cast %broadcast_in_dim3A_512 : vector<16x1xi32> to vector<16xi32>
      %gather3A_514 = tpu.dynamic_gather %get3A_28[%gather3A_513] in [0] : vector<16xf32>, vector<16xi32> -> vector<16xf32>
      %swap3A_515 = arith.constant 2 : i32
      %swap3A_516 = arith.index_cast %swap3A_515 : i32 to index
      %swap3A_517 = arith.index_cast %scan3A_117 : i32 to index
      %swap3A_518 = arith.constant 224 : index
      %swap3A_519 = tpu.vector_load %arg6[%swap3A_516, %swap3A_517, %swap3A_518] {strides = array<i32>} : memref<3x26x512xf32, #tpu.memory_space<vmem>>, vector<16xf32>,
      tpu.vector_store %arg6[%swap3A_516, %swap3A_517, %swap3A_518], %gather3A_514 {strides = array<i32>} : memref<3x26x512xf32, #tpu.memory_space<vmem>>, vector<16xf32>,
      %get3A_520 = arith.index_cast %scan3A_117 : i32 to index
      %get3A_521 = arith.constant 240 : index
      %get3A_522 = tpu.vector_load %arg5[%get3A_520, %get3A_521] {strides = array<i32>} : memref<26x512xi32, #tpu.memory_space<vmem>>, vector<16xi32>,
      %broadcast_in_dim3A_523 = vector.shape_cast %get3A_522 : vector<16xi32> to vector<16x1xi32>
      %gather3A_524 = vector.shape_cast %broadcast_in_dim3A_523 : vector<16x1xi32> to vector<16xi32>
      %gather3A_525 = tpu.dynamic_gather %get3A_24[%gather3A_524] in [0] : vector<16xf32>, vector<16xi32> -> vector<16xf32>
      %swap3A_526 = arith.constant 0 : i32
      %swap3A_527 = arith.index_cast %swap3A_526 : i32 to index
      %swap3A_528 = arith.index_cast %scan3A_117 : i32 to index
      %swap3A_529 = arith.constant 240 : index
      %swap3A_530 = tpu.vector_load %arg6[%swap3A_527, %swap3A_528, %swap3A_529] {strides = array<i32>} : memref<3x26x512xf32, #tpu.memory_space<vmem>>, vector<16xf32>,
      tpu.vector_store %arg6[%swap3A_527, %swap3A_528, %swap3A_529], %gather3A_525 {strides = array<i32>} : memref<3x26x512xf32, #tpu.memory_space<vmem>>, vector<16xf32>,
      %broadcast_in_dim3A_531 = vector.shape_cast %get3A_522 : vector<16xi32> to vector<16x1xi32>
      %gather3A_532 = vector.shape_cast %broadcast_in_dim3A_531 : vector<16x1xi32> to vector<16xi32>
      %gather3A_533 = tpu.dynamic_gather %get3A_26[%gather3A_532] in [0] : vector<16xf32>, vector<16xi32> -> vector<16xf32>
      %swap3A_534 = arith.constant 1 : i32
      %swap3A_535 = arith.index_cast %swap3A_534 : i32 to index
      %swap3A_536 = arith.index_cast %scan3A_117 : i32 to index
      %swap3A_537 = arith.constant 240 : index
      %swap3A_538 = tpu.vector_load %arg6[%swap3A_535, %swap3A_536, %swap3A_537] {strides = array<i32>} : memref<3x26x512xf32, #tpu.memory_space<vmem>>, vector<16xf32>,
      tpu.vector_store %arg6[%swap3A_535, %swap3A_536, %swap3A_537], %gather3A_533 {strides = array<i32>} : memref<3x26x512xf32, #tpu.memory_space<vmem>>, vector<16xf32>,
      %broadcast_in_dim3A_539 = vector.shape_cast %get3A_522 : vector<16xi32> to vector<16x1xi32>
      %gather3A_540 = vector.shape_cast %broadcast_in_dim3A_539 : vector<16x1xi32> to vector<16xi32>
      %gather3A_541 = tpu.dynamic_gather %get3A_28[%gather3A_540] in [0] : vector<16xf32>, vector<16xi32> -> vector<16xf32>
      %swap3A_542 = arith.constant 2 : i32
      %swap3A_543 = arith.index_cast %swap3A_542 : i32 to index
      %swap3A_544 = arith.index_cast %scan3A_117 : i32 to index
      %swap3A_545 = arith.constant 240 : index
      %swap3A_546 = tpu.vector_load %arg6[%swap3A_543, %swap3A_544, %swap3A_545] {strides = array<i32>} : memref<3x26x512xf32, #tpu.memory_space<vmem>>, vector<16xf32>,
      tpu.vector_store %arg6[%swap3A_543, %swap3A_544, %swap3A_545], %gather3A_541 {strides = array<i32>} : memref<3x26x512xf32, #tpu.memory_space<vmem>>, vector<16xf32>,
    }
    %scan3A_42 = arith.constant 26 : i32
    %dma_start3A_43 = arith.constant 0 : i32
    %dma_start3A_44 = arith.constant 0 : i32
    %dma_start3A_45 = arith.constant 0 : i32
    %dma_start3A_46 = tpu.memref_slice %arg6[%dma_start3A_43, %dma_start3A_44, %dma_start3A_45] : memref<3x26x512xf32, #tpu.memory_space<vmem>> -> memref<3x26x256xf32, #tpu.memory_space<vmem>>
    %dma_start3A_47 = arith.constant 0 : i32
    %dma_start3A_48 = arith.constant 0 : i32
    %dma_start3A_49 = tpu.memref_slice %arg4[%dma_start3A_47, %dma_start3A_48, %mul3A_2] : memref<3x26x16384xf32, #tpu.memory_space<hbm>> -> memref<3x26x256xf32, #tpu.memory_space<hbm>>
    %dma_start3A_50 = arith.constant 0 : i32
    %dma_start3A_51 = arith.constant 0 : i32
    %dma_start3A_52 = tpu.memref_slice %arg4[%dma_start3A_50, %dma_start3A_51, %mul3A_2] : memref<3x26x16384xf32, #tpu.memory_space<hbm>> -> memref<3x26x256xf32, #tpu.memory_space<hbm>>
    %dma_start3A_53 = arith.constant 0 : i32
    %dma_start3A_54 = arith.constant 0 : i32
    %dma_start3A_55 = arith.constant 0 : i32
    %dma_start3A_56 = tpu.memref_slice %arg6[%dma_start3A_53, %dma_start3A_54, %dma_start3A_55] : memref<3x26x512xf32, #tpu.memory_space<vmem>> -> memref<3x26x256xf32, #tpu.memory_space<vmem>>
    tpu.enqueue_dma source(%dma_start3A_56 : memref<3x26x256xf32, #tpu.memory_space<vmem>>) target(%dma_start3A_52 : memref<3x26x256xf32, #tpu.memory_space<hbm>>) target_semaphore(%arg10 : memref<!tpu.dma_semaphore, #tpu.memory_space<semaphore_mem>>)
    %dma_wait3A_57 = arith.constant 0 : i32
    %dma_wait3A_58 = arith.constant 256 : i32
    %dma_wait3A_59 = tpu.memref_slice %arg5[%dma_wait3A_57, %dma_wait3A_58] : memref<26x512xi32, #tpu.memory_space<vmem>> -> memref<26x256xi32, #tpu.memory_space<vmem>>
    %dma_wait3A_60 = arith.constant 0 : i32
    %dma_wait3A_61 = tpu.memref_slice %arg2[%dma_wait3A_60, %add3A_13] : memref<26x16384xi32, #tpu.memory_space<hbm>> -> memref<26x256xi32, #tpu.memory_space<hbm>>
    %dma_wait3A_62 = arith.constant 0 : i32
    %dma_wait3A_63 = arith.constant 256 : i32
    %dma_wait3A_64 = tpu.memref_slice %arg5[%dma_wait3A_62, %dma_wait3A_63] : memref<26x512xi32, #tpu.memory_space<vmem>> -> memref<26x256xi32, #tpu.memory_space<vmem>>
    %dma_wait3A_65 = arith.constant 0 : i32
    %dma_wait3A_66 = tpu.memref_slice %arg2[%dma_wait3A_65, %add3A_13] : memref<26x16384xi32, #tpu.memory_space<hbm>> -> memref<26x256xi32, #tpu.memory_space<hbm>>
    tpu.wait_dma2 semaphore(%arg9 : memref<!tpu.dma_semaphore, #tpu.memory_space<semaphore_mem>>) src(%dma_wait3A_66 : memref<26x256xi32, #tpu.memory_space<hbm>>) dst(%dma_wait3A_64 : memref<26x256xi32, #tpu.memory_space<vmem>>)
    %scan3A_67 = arith.constant 0 : i32
    %scan3A_68 = arith.constant 0 : i32
    %scan3A_69 = arith.constant 26 : i32
    %scan3A_70 = arith.addi %scan3A_68, %scan3A_69 : i32
    %scan3A_71 = arith.constant 1 : i32
    scf.for %scan3A_117 = %scan3A_68 to %scan3A_70 step %scan3A_71  : i32 {
      %get3A_118 = arith.index_cast %scan3A_117 : i32 to index
      %get3A_119 = arith.constant 256 : index
      %get3A_120 = tpu.vector_load %arg5[%get3A_118, %get3A_119] {strides = array<i32>} : memref<26x512xi32, #tpu.memory_space<vmem>>, vector<16xi32>,
      %broadcast_in_dim3A = vector.shape_cast %get3A_120 : vector<16xi32> to vector<16x1xi32>
      %gather3A = vector.shape_cast %broadcast_in_dim3A : vector<16x1xi32> to vector<16xi32>
      %gather3A_121 = tpu.dynamic_gather %get3A_24[%gather3A] in [0] : vector<16xf32>, vector<16xi32> -> vector<16xf32>
      %swap3A = arith.constant 0 : i32
      %swap3A_122 = arith.index_cast %swap3A : i32 to index
      %swap3A_123 = arith.index_cast %scan3A_117 : i32 to index
      %swap3A_124 = arith.constant 256 : index
      %swap3A_125 = tpu.vector_load %arg6[%swap3A_122, %swap3A_123, %swap3A_124] {strides = array<i32>} : memref<3x26x512xf32, #tpu.memory_space<vmem>>, vector<16xf32>,
      tpu.vector_store %arg6[%swap3A_122, %swap3A_123, %swap3A_124], %gather3A_121 {strides = array<i32>} : memref<3x26x512xf32, #tpu.memory_space<vmem>>, vector<16xf32>,
      %broadcast_in_dim3A_126 = vector.shape_cast %get3A_120 : vector<16xi32> to vector<16x1xi32>
      %gather3A_127 = vector.shape_cast %broadcast_in_dim3A_126 : vector<16x1xi32> to vector<16xi32>
      %gather3A_128 = tpu.dynamic_gather %get3A_26[%gather3A_127] in [0] : vector<16xf32>, vector<16xi32> -> vector<16xf32>
      %swap3A_129 = arith.constant 1 : i32
      %swap3A_130 = arith.index_cast %swap3A_129 : i32 to index
      %swap3A_131 = arith.index_cast %scan3A_117 : i32 to index
      %swap3A_132 = arith.constant 256 : index
      %swap3A_133 = tpu.vector_load %arg6[%swap3A_130, %swap3A_131, %swap3A_132] {strides = array<i32>} : memref<3x26x512xf32, #tpu.memory_space<vmem>>, vector<16xf32>,
      tpu.vector_store %arg6[%swap3A_130, %swap3A_131, %swap3A_132], %gather3A_128 {strides = array<i32>} : memref<3x26x512xf32, #tpu.memory_space<vmem>>, vector<16xf32>,
      %broadcast_in_dim3A_134 = vector.shape_cast %get3A_120 : vector<16xi32> to vector<16x1xi32>
      %gather3A_135 = vector.shape_cast %broadcast_in_dim3A_134 : vector<16x1xi32> to vector<16xi32>
      %gather3A_136 = tpu.dynamic_gather %get3A_28[%gather3A_135] in [0] : vector<16xf32>, vector<16xi32> -> vector<16xf32>
      %swap3A_137 = arith.constant 2 : i32
      %swap3A_138 = arith.index_cast %swap3A_137 : i32 to index
      %swap3A_139 = arith.index_cast %scan3A_117 : i32 to index
      %swap3A_140 = arith.constant 256 : index
      %swap3A_141 = tpu.vector_load %arg6[%swap3A_138, %swap3A_139, %swap3A_140] {strides = array<i32>} : memref<3x26x512xf32, #tpu.memory_space<vmem>>, vector<16xf32>,
      tpu.vector_store %arg6[%swap3A_138, %swap3A_139, %swap3A_140], %gather3A_136 {strides = array<i32>} : memref<3x26x512xf32, #tpu.memory_space<vmem>>, vector<16xf32>,
      %get3A_142 = arith.index_cast %scan3A_117 : i32 to index
      %get3A_143 = arith.constant 272 : index
      %get3A_144 = tpu.vector_load %arg5[%get3A_142, %get3A_143] {strides = array<i32>} : memref<26x512xi32, #tpu.memory_space<vmem>>, vector<16xi32>,
      %broadcast_in_dim3A_145 = vector.shape_cast %get3A_144 : vector<16xi32> to vector<16x1xi32>
      %gather3A_146 = vector.shape_cast %broadcast_in_dim3A_145 : vector<16x1xi32> to vector<16xi32>
      %gather3A_147 = tpu.dynamic_gather %get3A_24[%gather3A_146] in [0] : vector<16xf32>, vector<16xi32> -> vector<16xf32>
      %swap3A_148 = arith.constant 0 : i32
      %swap3A_149 = arith.index_cast %swap3A_148 : i32 to index
      %swap3A_150 = arith.index_cast %scan3A_117 : i32 to index
      %swap3A_151 = arith.constant 272 : index
      %swap3A_152 = tpu.vector_load %arg6[%swap3A_149, %swap3A_150, %swap3A_151] {strides = array<i32>} : memref<3x26x512xf32, #tpu.memory_space<vmem>>, vector<16xf32>,
      tpu.vector_store %arg6[%swap3A_149, %swap3A_150, %swap3A_151], %gather3A_147 {strides = array<i32>} : memref<3x26x512xf32, #tpu.memory_space<vmem>>, vector<16xf32>,
      %broadcast_in_dim3A_153 = vector.shape_cast %get3A_144 : vector<16xi32> to vector<16x1xi32>
      %gather3A_154 = vector.shape_cast %broadcast_in_dim3A_153 : vector<16x1xi32> to vector<16xi32>
      %gather3A_155 = tpu.dynamic_gather %get3A_26[%gather3A_154] in [0] : vector<16xf32>, vector<16xi32> -> vector<16xf32>
      %swap3A_156 = arith.constant 1 : i32
      %swap3A_157 = arith.index_cast %swap3A_156 : i32 to index
      %swap3A_158 = arith.index_cast %scan3A_117 : i32 to index
      %swap3A_159 = arith.constant 272 : index
      %swap3A_160 = tpu.vector_load %arg6[%swap3A_157, %swap3A_158, %swap3A_159] {strides = array<i32>} : memref<3x26x512xf32, #tpu.memory_space<vmem>>, vector<16xf32>,
      tpu.vector_store %arg6[%swap3A_157, %swap3A_158, %swap3A_159], %gather3A_155 {strides = array<i32>} : memref<3x26x512xf32, #tpu.memory_space<vmem>>, vector<16xf32>,
      %broadcast_in_dim3A_161 = vector.shape_cast %get3A_144 : vector<16xi32> to vector<16x1xi32>
      %gather3A_162 = vector.shape_cast %broadcast_in_dim3A_161 : vector<16x1xi32> to vector<16xi32>
      %gather3A_163 = tpu.dynamic_gather %get3A_28[%gather3A_162] in [0] : vector<16xf32>, vector<16xi32> -> vector<16xf32>
      %swap3A_164 = arith.constant 2 : i32
      %swap3A_165 = arith.index_cast %swap3A_164 : i32 to index
      %swap3A_166 = arith.index_cast %scan3A_117 : i32 to index
      %swap3A_167 = arith.constant 272 : index
      %swap3A_168 = tpu.vector_load %arg6[%swap3A_165, %swap3A_166, %swap3A_167] {strides = array<i32>} : memref<3x26x512xf32, #tpu.memory_space<vmem>>, vector<16xf32>,
      tpu.vector_store %arg6[%swap3A_165, %swap3A_166, %swap3A_167], %gather3A_163 {strides = array<i32>} : memref<3x26x512xf32, #tpu.memory_space<vmem>>, vector<16xf32>,
      %get3A_169 = arith.index_cast %scan3A_117 : i32 to index
      %get3A_170 = arith.constant 288 : index
      %get3A_171 = tpu.vector_load %arg5[%get3A_169, %get3A_170] {strides = array<i32>} : memref<26x512xi32, #tpu.memory_space<vmem>>, vector<16xi32>,
      %broadcast_in_dim3A_172 = vector.shape_cast %get3A_171 : vector<16xi32> to vector<16x1xi32>
      %gather3A_173 = vector.shape_cast %broadcast_in_dim3A_172 : vector<16x1xi32> to vector<16xi32>
      %gather3A_174 = tpu.dynamic_gather %get3A_24[%gather3A_173] in [0] : vector<16xf32>, vector<16xi32> -> vector<16xf32>
      %swap3A_175 = arith.constant 0 : i32
      %swap3A_176 = arith.index_cast %swap3A_175 : i32 to index
      %swap3A_177 = arith.index_cast %scan3A_117 : i32 to index
      %swap3A_178 = arith.constant 288 : index
      %swap3A_179 = tpu.vector_load %arg6[%swap3A_176, %swap3A_177, %swap3A_178] {strides = array<i32>} : memref<3x26x512xf32, #tpu.memory_space<vmem>>, vector<16xf32>,
      tpu.vector_store %arg6[%swap3A_176, %swap3A_177, %swap3A_178], %gather3A_174 {strides = array<i32>} : memref<3x26x512xf32, #tpu.memory_space<vmem>>, vector<16xf32>,
      %broadcast_in_dim3A_180 = vector.shape_cast %get3A_171 : vector<16xi32> to vector<16x1xi32>
      %gather3A_181 = vector.shape_cast %broadcast_in_dim3A_180 : vector<16x1xi32> to vector<16xi32>
      %gather3A_182 = tpu.dynamic_gather %get3A_26[%gather3A_181] in [0] : vector<16xf32>, vector<16xi32> -> vector<16xf32>
      %swap3A_183 = arith.constant 1 : i32
      %swap3A_184 = arith.index_cast %swap3A_183 : i32 to index
      %swap3A_185 = arith.index_cast %scan3A_117 : i32 to index
      %swap3A_186 = arith.constant 288 : index
      %swap3A_187 = tpu.vector_load %arg6[%swap3A_184, %swap3A_185, %swap3A_186] {strides = array<i32>} : memref<3x26x512xf32, #tpu.memory_space<vmem>>, vector<16xf32>,
      tpu.vector_store %arg6[%swap3A_184, %swap3A_185, %swap3A_186], %gather3A_182 {strides = array<i32>} : memref<3x26x512xf32, #tpu.memory_space<vmem>>, vector<16xf32>,
      %broadcast_in_dim3A_188 = vector.shape_cast %get3A_171 : vector<16xi32> to vector<16x1xi32>
      %gather3A_189 = vector.shape_cast %broadcast_in_dim3A_188 : vector<16x1xi32> to vector<16xi32>
      %gather3A_190 = tpu.dynamic_gather %get3A_28[%gather3A_189] in [0] : vector<16xf32>, vector<16xi32> -> vector<16xf32>
      %swap3A_191 = arith.constant 2 : i32
      %swap3A_192 = arith.index_cast %swap3A_191 : i32 to index
      %swap3A_193 = arith.index_cast %scan3A_117 : i32 to index
      %swap3A_194 = arith.constant 288 : index
      %swap3A_195 = tpu.vector_load %arg6[%swap3A_192, %swap3A_193, %swap3A_194] {strides = array<i32>} : memref<3x26x512xf32, #tpu.memory_space<vmem>>, vector<16xf32>,
      tpu.vector_store %arg6[%swap3A_192, %swap3A_193, %swap3A_194], %gather3A_190 {strides = array<i32>} : memref<3x26x512xf32, #tpu.memory_space<vmem>>, vector<16xf32>,
      %get3A_196 = arith.index_cast %scan3A_117 : i32 to index
      %get3A_197 = arith.constant 304 : index
      %get3A_198 = tpu.vector_load %arg5[%get3A_196, %get3A_197] {strides = array<i32>} : memref<26x512xi32, #tpu.memory_space<vmem>>, vector<16xi32>,
      %broadcast_in_dim3A_199 = vector.shape_cast %get3A_198 : vector<16xi32> to vector<16x1xi32>
      %gather3A_200 = vector.shape_cast %broadcast_in_dim3A_199 : vector<16x1xi32> to vector<16xi32>
      %gather3A_201 = tpu.dynamic_gather %get3A_24[%gather3A_200] in [0] : vector<16xf32>, vector<16xi32> -> vector<16xf32>
      %swap3A_202 = arith.constant 0 : i32
      %swap3A_203 = arith.index_cast %swap3A_202 : i32 to index
      %swap3A_204 = arith.index_cast %scan3A_117 : i32 to index
      %swap3A_205 = arith.constant 304 : index
      %swap3A_206 = tpu.vector_load %arg6[%swap3A_203, %swap3A_204, %swap3A_205] {strides = array<i32>} : memref<3x26x512xf32, #tpu.memory_space<vmem>>, vector<16xf32>,
      tpu.vector_store %arg6[%swap3A_203, %swap3A_204, %swap3A_205], %gather3A_201 {strides = array<i32>} : memref<3x26x512xf32, #tpu.memory_space<vmem>>, vector<16xf32>,
      %broadcast_in_dim3A_207 = vector.shape_cast %get3A_198 : vector<16xi32> to vector<16x1xi32>
      %gather3A_208 = vector.shape_cast %broadcast_in_dim3A_207 : vector<16x1xi32> to vector<16xi32>
      %gather3A_209 = tpu.dynamic_gather %get3A_26[%gather3A_208] in [0] : vector<16xf32>, vector<16xi32> -> vector<16xf32>
      %swap3A_210 = arith.constant 1 : i32
      %swap3A_211 = arith.index_cast %swap3A_210 : i32 to index
      %swap3A_212 = arith.index_cast %scan3A_117 : i32 to index
      %swap3A_213 = arith.constant 304 : index
      %swap3A_214 = tpu.vector_load %arg6[%swap3A_211, %swap3A_212, %swap3A_213] {strides = array<i32>} : memref<3x26x512xf32, #tpu.memory_space<vmem>>, vector<16xf32>,
      tpu.vector_store %arg6[%swap3A_211, %swap3A_212, %swap3A_213], %gather3A_209 {strides = array<i32>} : memref<3x26x512xf32, #tpu.memory_space<vmem>>, vector<16xf32>,
      %broadcast_in_dim3A_215 = vector.shape_cast %get3A_198 : vector<16xi32> to vector<16x1xi32>
      %gather3A_216 = vector.shape_cast %broadcast_in_dim3A_215 : vector<16x1xi32> to vector<16xi32>
      %gather3A_217 = tpu.dynamic_gather %get3A_28[%gather3A_216] in [0] : vector<16xf32>, vector<16xi32> -> vector<16xf32>
      %swap3A_218 = arith.constant 2 : i32
      %swap3A_219 = arith.index_cast %swap3A_218 : i32 to index
      %swap3A_220 = arith.index_cast %scan3A_117 : i32 to index
      %swap3A_221 = arith.constant 304 : index
      %swap3A_222 = tpu.vector_load %arg6[%swap3A_219, %swap3A_220, %swap3A_221] {strides = array<i32>} : memref<3x26x512xf32, #tpu.memory_space<vmem>>, vector<16xf32>,
      tpu.vector_store %arg6[%swap3A_219, %swap3A_220, %swap3A_221], %gather3A_217 {strides = array<i32>} : memref<3x26x512xf32, #tpu.memory_space<vmem>>, vector<16xf32>,
      %get3A_223 = arith.index_cast %scan3A_117 : i32 to index
      %get3A_224 = arith.constant 320 : index
      %get3A_225 = tpu.vector_load %arg5[%get3A_223, %get3A_224] {strides = array<i32>} : memref<26x512xi32, #tpu.memory_space<vmem>>, vector<16xi32>,
      %broadcast_in_dim3A_226 = vector.shape_cast %get3A_225 : vector<16xi32> to vector<16x1xi32>
      %gather3A_227 = vector.shape_cast %broadcast_in_dim3A_226 : vector<16x1xi32> to vector<16xi32>
      %gather3A_228 = tpu.dynamic_gather %get3A_24[%gather3A_227] in [0] : vector<16xf32>, vector<16xi32> -> vector<16xf32>
      %swap3A_229 = arith.constant 0 : i32
      %swap3A_230 = arith.index_cast %swap3A_229 : i32 to index
      %swap3A_231 = arith.index_cast %scan3A_117 : i32 to index
      %swap3A_232 = arith.constant 320 : index
      %swap3A_233 = tpu.vector_load %arg6[%swap3A_230, %swap3A_231, %swap3A_232] {strides = array<i32>} : memref<3x26x512xf32, #tpu.memory_space<vmem>>, vector<16xf32>,
      tpu.vector_store %arg6[%swap3A_230, %swap3A_231, %swap3A_232], %gather3A_228 {strides = array<i32>} : memref<3x26x512xf32, #tpu.memory_space<vmem>>, vector<16xf32>,
      %broadcast_in_dim3A_234 = vector.shape_cast %get3A_225 : vector<16xi32> to vector<16x1xi32>
      %gather3A_235 = vector.shape_cast %broadcast_in_dim3A_234 : vector<16x1xi32> to vector<16xi32>
      %gather3A_236 = tpu.dynamic_gather %get3A_26[%gather3A_235] in [0] : vector<16xf32>, vector<16xi32> -> vector<16xf32>
      %swap3A_237 = arith.constant 1 : i32
      %swap3A_238 = arith.index_cast %swap3A_237 : i32 to index
      %swap3A_239 = arith.index_cast %scan3A_117 : i32 to index
      %swap3A_240 = arith.constant 320 : index
      %swap3A_241 = tpu.vector_load %arg6[%swap3A_238, %swap3A_239, %swap3A_240] {strides = array<i32>} : memref<3x26x512xf32, #tpu.memory_space<vmem>>, vector<16xf32>,
      tpu.vector_store %arg6[%swap3A_238, %swap3A_239, %swap3A_240], %gather3A_236 {strides = array<i32>} : memref<3x26x512xf32, #tpu.memory_space<vmem>>, vector<16xf32>,
      %broadcast_in_dim3A_242 = vector.shape_cast %get3A_225 : vector<16xi32> to vector<16x1xi32>
      %gather3A_243 = vector.shape_cast %broadcast_in_dim3A_242 : vector<16x1xi32> to vector<16xi32>
      %gather3A_244 = tpu.dynamic_gather %get3A_28[%gather3A_243] in [0] : vector<16xf32>, vector<16xi32> -> vector<16xf32>
      %swap3A_245 = arith.constant 2 : i32
      %swap3A_246 = arith.index_cast %swap3A_245 : i32 to index
      %swap3A_247 = arith.index_cast %scan3A_117 : i32 to index
      %swap3A_248 = arith.constant 320 : index
      %swap3A_249 = tpu.vector_load %arg6[%swap3A_246, %swap3A_247, %swap3A_248] {strides = array<i32>} : memref<3x26x512xf32, #tpu.memory_space<vmem>>, vector<16xf32>,
      tpu.vector_store %arg6[%swap3A_246, %swap3A_247, %swap3A_248], %gather3A_244 {strides = array<i32>} : memref<3x26x512xf32, #tpu.memory_space<vmem>>, vector<16xf32>,
      %get3A_250 = arith.index_cast %scan3A_117 : i32 to index
      %get3A_251 = arith.constant 336 : index
      %get3A_252 = tpu.vector_load %arg5[%get3A_250, %get3A_251] {strides = array<i32>} : memref<26x512xi32, #tpu.memory_space<vmem>>, vector<16xi32>,
      %broadcast_in_dim3A_253 = vector.shape_cast %get3A_252 : vector<16xi32> to vector<16x1xi32>
      %gather3A_254 = vector.shape_cast %broadcast_in_dim3A_253 : vector<16x1xi32> to vector<16xi32>
      %gather3A_255 = tpu.dynamic_gather %get3A_24[%gather3A_254] in [0] : vector<16xf32>, vector<16xi32> -> vector<16xf32>
      %swap3A_256 = arith.constant 0 : i32
      %swap3A_257 = arith.index_cast %swap3A_256 : i32 to index
      %swap3A_258 = arith.index_cast %scan3A_117 : i32 to index
      %swap3A_259 = arith.constant 336 : index
      %swap3A_260 = tpu.vector_load %arg6[%swap3A_257, %swap3A_258, %swap3A_259] {strides = array<i32>} : memref<3x26x512xf32, #tpu.memory_space<vmem>>, vector<16xf32>,
      tpu.vector_store %arg6[%swap3A_257, %swap3A_258, %swap3A_259], %gather3A_255 {strides = array<i32>} : memref<3x26x512xf32, #tpu.memory_space<vmem>>, vector<16xf32>,
      %broadcast_in_dim3A_261 = vector.shape_cast %get3A_252 : vector<16xi32> to vector<16x1xi32>
      %gather3A_262 = vector.shape_cast %broadcast_in_dim3A_261 : vector<16x1xi32> to vector<16xi32>
      %gather3A_263 = tpu.dynamic_gather %get3A_26[%gather3A_262] in [0] : vector<16xf32>, vector<16xi32> -> vector<16xf32>
      %swap3A_264 = arith.constant 1 : i32
      %swap3A_265 = arith.index_cast %swap3A_264 : i32 to index
      %swap3A_266 = arith.index_cast %scan3A_117 : i32 to index
      %swap3A_267 = arith.constant 336 : index
      %swap3A_268 = tpu.vector_load %arg6[%swap3A_265, %swap3A_266, %swap3A_267] {strides = array<i32>} : memref<3x26x512xf32, #tpu.memory_space<vmem>>, vector<16xf32>,
      tpu.vector_store %arg6[%swap3A_265, %swap3A_266, %swap3A_267], %gather3A_263 {strides = array<i32>} : memref<3x26x512xf32, #tpu.memory_space<vmem>>, vector<16xf32>,
      %broadcast_in_dim3A_269 = vector.shape_cast %get3A_252 : vector<16xi32> to vector<16x1xi32>
      %gather3A_270 = vector.shape_cast %broadcast_in_dim3A_269 : vector<16x1xi32> to vector<16xi32>
      %gather3A_271 = tpu.dynamic_gather %get3A_28[%gather3A_270] in [0] : vector<16xf32>, vector<16xi32> -> vector<16xf32>
      %swap3A_272 = arith.constant 2 : i32
      %swap3A_273 = arith.index_cast %swap3A_272 : i32 to index
      %swap3A_274 = arith.index_cast %scan3A_117 : i32 to index
      %swap3A_275 = arith.constant 336 : index
      %swap3A_276 = tpu.vector_load %arg6[%swap3A_273, %swap3A_274, %swap3A_275] {strides = array<i32>} : memref<3x26x512xf32, #tpu.memory_space<vmem>>, vector<16xf32>,
      tpu.vector_store %arg6[%swap3A_273, %swap3A_274, %swap3A_275], %gather3A_271 {strides = array<i32>} : memref<3x26x512xf32, #tpu.memory_space<vmem>>, vector<16xf32>,
      %get3A_277 = arith.index_cast %scan3A_117 : i32 to index
      %get3A_278 = arith.constant 352 : index
      %get3A_279 = tpu.vector_load %arg5[%get3A_277, %get3A_278] {strides = array<i32>} : memref<26x512xi32, #tpu.memory_space<vmem>>, vector<16xi32>,
      %broadcast_in_dim3A_280 = vector.shape_cast %get3A_279 : vector<16xi32> to vector<16x1xi32>
      %gather3A_281 = vector.shape_cast %broadcast_in_dim3A_280 : vector<16x1xi32> to vector<16xi32>
      %gather3A_282 = tpu.dynamic_gather %get3A_24[%gather3A_281] in [0] : vector<16xf32>, vector<16xi32> -> vector<16xf32>
      %swap3A_283 = arith.constant 0 : i32
      %swap3A_284 = arith.index_cast %swap3A_283 : i32 to index
      %swap3A_285 = arith.index_cast %scan3A_117 : i32 to index
      %swap3A_286 = arith.constant 352 : index
      %swap3A_287 = tpu.vector_load %arg6[%swap3A_284, %swap3A_285, %swap3A_286] {strides = array<i32>} : memref<3x26x512xf32, #tpu.memory_space<vmem>>, vector<16xf32>,
      tpu.vector_store %arg6[%swap3A_284, %swap3A_285, %swap3A_286], %gather3A_282 {strides = array<i32>} : memref<3x26x512xf32, #tpu.memory_space<vmem>>, vector<16xf32>,
      %broadcast_in_dim3A_288 = vector.shape_cast %get3A_279 : vector<16xi32> to vector<16x1xi32>
      %gather3A_289 = vector.shape_cast %broadcast_in_dim3A_288 : vector<16x1xi32> to vector<16xi32>
      %gather3A_290 = tpu.dynamic_gather %get3A_26[%gather3A_289] in [0] : vector<16xf32>, vector<16xi32> -> vector<16xf32>
      %swap3A_291 = arith.constant 1 : i32
      %swap3A_292 = arith.index_cast %swap3A_291 : i32 to index
      %swap3A_293 = arith.index_cast %scan3A_117 : i32 to index
      %swap3A_294 = arith.constant 352 : index
      %swap3A_295 = tpu.vector_load %arg6[%swap3A_292, %swap3A_293, %swap3A_294] {strides = array<i32>} : memref<3x26x512xf32, #tpu.memory_space<vmem>>, vector<16xf32>,
      tpu.vector_store %arg6[%swap3A_292, %swap3A_293, %swap3A_294], %gather3A_290 {strides = array<i32>} : memref<3x26x512xf32, #tpu.memory_space<vmem>>, vector<16xf32>,
      %broadcast_in_dim3A_296 = vector.shape_cast %get3A_279 : vector<16xi32> to vector<16x1xi32>
      %gather3A_297 = vector.shape_cast %broadcast_in_dim3A_296 : vector<16x1xi32> to vector<16xi32>
      %gather3A_298 = tpu.dynamic_gather %get3A_28[%gather3A_297] in [0] : vector<16xf32>, vector<16xi32> -> vector<16xf32>
      %swap3A_299 = arith.constant 2 : i32
      %swap3A_300 = arith.index_cast %swap3A_299 : i32 to index
      %swap3A_301 = arith.index_cast %scan3A_117 : i32 to index
      %swap3A_302 = arith.constant 352 : index
      %swap3A_303 = tpu.vector_load %arg6[%swap3A_300, %swap3A_301, %swap3A_302] {strides = array<i32>} : memref<3x26x512xf32, #tpu.memory_space<vmem>>, vector<16xf32>,
      tpu.vector_store %arg6[%swap3A_300, %swap3A_301, %swap3A_302], %gather3A_298 {strides = array<i32>} : memref<3x26x512xf32, #tpu.memory_space<vmem>>, vector<16xf32>,
      %get3A_304 = arith.index_cast %scan3A_117 : i32 to index
      %get3A_305 = arith.constant 368 : index
      %get3A_306 = tpu.vector_load %arg5[%get3A_304, %get3A_305] {strides = array<i32>} : memref<26x512xi32, #tpu.memory_space<vmem>>, vector<16xi32>,
      %broadcast_in_dim3A_307 = vector.shape_cast %get3A_306 : vector<16xi32> to vector<16x1xi32>
      %gather3A_308 = vector.shape_cast %broadcast_in_dim3A_307 : vector<16x1xi32> to vector<16xi32>
      %gather3A_309 = tpu.dynamic_gather %get3A_24[%gather3A_308] in [0] : vector<16xf32>, vector<16xi32> -> vector<16xf32>
      %swap3A_310 = arith.constant 0 : i32
      %swap3A_311 = arith.index_cast %swap3A_310 : i32 to index
      %swap3A_312 = arith.index_cast %scan3A_117 : i32 to index
      %swap3A_313 = arith.constant 368 : index
      %swap3A_314 = tpu.vector_load %arg6[%swap3A_311, %swap3A_312, %swap3A_313] {strides = array<i32>} : memref<3x26x512xf32, #tpu.memory_space<vmem>>, vector<16xf32>,
      tpu.vector_store %arg6[%swap3A_311, %swap3A_312, %swap3A_313], %gather3A_309 {strides = array<i32>} : memref<3x26x512xf32, #tpu.memory_space<vmem>>, vector<16xf32>,
      %broadcast_in_dim3A_315 = vector.shape_cast %get3A_306 : vector<16xi32> to vector<16x1xi32>
      %gather3A_316 = vector.shape_cast %broadcast_in_dim3A_315 : vector<16x1xi32> to vector<16xi32>
      %gather3A_317 = tpu.dynamic_gather %get3A_26[%gather3A_316] in [0] : vector<16xf32>, vector<16xi32> -> vector<16xf32>
      %swap3A_318 = arith.constant 1 : i32
      %swap3A_319 = arith.index_cast %swap3A_318 : i32 to index
      %swap3A_320 = arith.index_cast %scan3A_117 : i32 to index
      %swap3A_321 = arith.constant 368 : index
      %swap3A_322 = tpu.vector_load %arg6[%swap3A_319, %swap3A_320, %swap3A_321] {strides = array<i32>} : memref<3x26x512xf32, #tpu.memory_space<vmem>>, vector<16xf32>,
      tpu.vector_store %arg6[%swap3A_319, %swap3A_320, %swap3A_321], %gather3A_317 {strides = array<i32>} : memref<3x26x512xf32, #tpu.memory_space<vmem>>, vector<16xf32>,
      %broadcast_in_dim3A_323 = vector.shape_cast %get3A_306 : vector<16xi32> to vector<16x1xi32>
      %gather3A_324 = vector.shape_cast %broadcast_in_dim3A_323 : vector<16x1xi32> to vector<16xi32>
      %gather3A_325 = tpu.dynamic_gather %get3A_28[%gather3A_324] in [0] : vector<16xf32>, vector<16xi32> -> vector<16xf32>
      %swap3A_326 = arith.constant 2 : i32
      %swap3A_327 = arith.index_cast %swap3A_326 : i32 to index
      %swap3A_328 = arith.index_cast %scan3A_117 : i32 to index
      %swap3A_329 = arith.constant 368 : index
      %swap3A_330 = tpu.vector_load %arg6[%swap3A_327, %swap3A_328, %swap3A_329] {strides = array<i32>} : memref<3x26x512xf32, #tpu.memory_space<vmem>>, vector<16xf32>,
      tpu.vector_store %arg6[%swap3A_327, %swap3A_328, %swap3A_329], %gather3A_325 {strides = array<i32>} : memref<3x26x512xf32, #tpu.memory_space<vmem>>, vector<16xf32>,
      %get3A_331 = arith.index_cast %scan3A_117 : i32 to index
      %get3A_332 = arith.constant 384 : index
      %get3A_333 = tpu.vector_load %arg5[%get3A_331, %get3A_332] {strides = array<i32>} : memref<26x512xi32, #tpu.memory_space<vmem>>, vector<16xi32>,
      %broadcast_in_dim3A_334 = vector.shape_cast %get3A_333 : vector<16xi32> to vector<16x1xi32>
      %gather3A_335 = vector.shape_cast %broadcast_in_dim3A_334 : vector<16x1xi32> to vector<16xi32>
      %gather3A_336 = tpu.dynamic_gather %get3A_24[%gather3A_335] in [0] : vector<16xf32>, vector<16xi32> -> vector<16xf32>
      %swap3A_337 = arith.constant 0 : i32
      %swap3A_338 = arith.index_cast %swap3A_337 : i32 to index
      %swap3A_339 = arith.index_cast %scan3A_117 : i32 to index
      %swap3A_340 = arith.constant 384 : index
      %swap3A_341 = tpu.vector_load %arg6[%swap3A_338, %swap3A_339, %swap3A_340] {strides = array<i32>} : memref<3x26x512xf32, #tpu.memory_space<vmem>>, vector<16xf32>,
      tpu.vector_store %arg6[%swap3A_338, %swap3A_339, %swap3A_340], %gather3A_336 {strides = array<i32>} : memref<3x26x512xf32, #tpu.memory_space<vmem>>, vector<16xf32>,
      %broadcast_in_dim3A_342 = vector.shape_cast %get3A_333 : vector<16xi32> to vector<16x1xi32>
      %gather3A_343 = vector.shape_cast %broadcast_in_dim3A_342 : vector<16x1xi32> to vector<16xi32>
      %gather3A_344 = tpu.dynamic_gather %get3A_26[%gather3A_343] in [0] : vector<16xf32>, vector<16xi32> -> vector<16xf32>
      %swap3A_345 = arith.constant 1 : i32
      %swap3A_346 = arith.index_cast %swap3A_345 : i32 to index
      %swap3A_347 = arith.index_cast %scan3A_117 : i32 to index
      %swap3A_348 = arith.constant 384 : index
      %swap3A_349 = tpu.vector_load %arg6[%swap3A_346, %swap3A_347, %swap3A_348] {strides = array<i32>} : memref<3x26x512xf32, #tpu.memory_space<vmem>>, vector<16xf32>,
      tpu.vector_store %arg6[%swap3A_346, %swap3A_347, %swap3A_348], %gather3A_344 {strides = array<i32>} : memref<3x26x512xf32, #tpu.memory_space<vmem>>, vector<16xf32>,
      %broadcast_in_dim3A_350 = vector.shape_cast %get3A_333 : vector<16xi32> to vector<16x1xi32>
      %gather3A_351 = vector.shape_cast %broadcast_in_dim3A_350 : vector<16x1xi32> to vector<16xi32>
      %gather3A_352 = tpu.dynamic_gather %get3A_28[%gather3A_351] in [0] : vector<16xf32>, vector<16xi32> -> vector<16xf32>
      %swap3A_353 = arith.constant 2 : i32
      %swap3A_354 = arith.index_cast %swap3A_353 : i32 to index
      %swap3A_355 = arith.index_cast %scan3A_117 : i32 to index
      %swap3A_356 = arith.constant 384 : index
      %swap3A_357 = tpu.vector_load %arg6[%swap3A_354, %swap3A_355, %swap3A_356] {strides = array<i32>} : memref<3x26x512xf32, #tpu.memory_space<vmem>>, vector<16xf32>,
      tpu.vector_store %arg6[%swap3A_354, %swap3A_355, %swap3A_356], %gather3A_352 {strides = array<i32>} : memref<3x26x512xf32, #tpu.memory_space<vmem>>, vector<16xf32>,
      %get3A_358 = arith.index_cast %scan3A_117 : i32 to index
      %get3A_359 = arith.constant 400 : index
      %get3A_360 = tpu.vector_load %arg5[%get3A_358, %get3A_359] {strides = array<i32>} : memref<26x512xi32, #tpu.memory_space<vmem>>, vector<16xi32>,
      %broadcast_in_dim3A_361 = vector.shape_cast %get3A_360 : vector<16xi32> to vector<16x1xi32>
      %gather3A_362 = vector.shape_cast %broadcast_in_dim3A_361 : vector<16x1xi32> to vector<16xi32>
      %gather3A_363 = tpu.dynamic_gather %get3A_24[%gather3A_362] in [0] : vector<16xf32>, vector<16xi32> -> vector<16xf32>
      %swap3A_364 = arith.constant 0 : i32
      %swap3A_365 = arith.index_cast %swap3A_364 : i32 to index
      %swap3A_366 = arith.index_cast %scan3A_117 : i32 to index
      %swap3A_367 = arith.constant 400 : index
      %swap3A_368 = tpu.vector_load %arg6[%swap3A_365, %swap3A_366, %swap3A_367] {strides = array<i32>} : memref<3x26x512xf32, #tpu.memory_space<vmem>>, vector<16xf32>,
      tpu.vector_store %arg6[%swap3A_365, %swap3A_366, %swap3A_367], %gather3A_363 {strides = array<i32>} : memref<3x26x512xf32, #tpu.memory_space<vmem>>, vector<16xf32>,
      %broadcast_in_dim3A_369 = vector.shape_cast %get3A_360 : vector<16xi32> to vector<16x1xi32>
      %gather3A_370 = vector.shape_cast %broadcast_in_dim3A_369 : vector<16x1xi32> to vector<16xi32>
      %gather3A_371 = tpu.dynamic_gather %get3A_26[%gather3A_370] in [0] : vector<16xf32>, vector<16xi32> -> vector<16xf32>
      %swap3A_372 = arith.constant 1 : i32
      %swap3A_373 = arith.index_cast %swap3A_372 : i32 to index
      %swap3A_374 = arith.index_cast %scan3A_117 : i32 to index
      %swap3A_375 = arith.constant 400 : index
      %swap3A_376 = tpu.vector_load %arg6[%swap3A_373, %swap3A_374, %swap3A_375] {strides = array<i32>} : memref<3x26x512xf32, #tpu.memory_space<vmem>>, vector<16xf32>,
      tpu.vector_store %arg6[%swap3A_373, %swap3A_374, %swap3A_375], %gather3A_371 {strides = array<i32>} : memref<3x26x512xf32, #tpu.memory_space<vmem>>, vector<16xf32>,
      %broadcast_in_dim3A_377 = vector.shape_cast %get3A_360 : vector<16xi32> to vector<16x1xi32>
      %gather3A_378 = vector.shape_cast %broadcast_in_dim3A_377 : vector<16x1xi32> to vector<16xi32>
      %gather3A_379 = tpu.dynamic_gather %get3A_28[%gather3A_378] in [0] : vector<16xf32>, vector<16xi32> -> vector<16xf32>
      %swap3A_380 = arith.constant 2 : i32
      %swap3A_381 = arith.index_cast %swap3A_380 : i32 to index
      %swap3A_382 = arith.index_cast %scan3A_117 : i32 to index
      %swap3A_383 = arith.constant 400 : index
      %swap3A_384 = tpu.vector_load %arg6[%swap3A_381, %swap3A_382, %swap3A_383] {strides = array<i32>} : memref<3x26x512xf32, #tpu.memory_space<vmem>>, vector<16xf32>,
      tpu.vector_store %arg6[%swap3A_381, %swap3A_382, %swap3A_383], %gather3A_379 {strides = array<i32>} : memref<3x26x512xf32, #tpu.memory_space<vmem>>, vector<16xf32>,
      %get3A_385 = arith.index_cast %scan3A_117 : i32 to index
      %get3A_386 = arith.constant 416 : index
      %get3A_387 = tpu.vector_load %arg5[%get3A_385, %get3A_386] {strides = array<i32>} : memref<26x512xi32, #tpu.memory_space<vmem>>, vector<16xi32>,
      %broadcast_in_dim3A_388 = vector.shape_cast %get3A_387 : vector<16xi32> to vector<16x1xi32>
      %gather3A_389 = vector.shape_cast %broadcast_in_dim3A_388 : vector<16x1xi32> to vector<16xi32>
      %gather3A_390 = tpu.dynamic_gather %get3A_24[%gather3A_389] in [0] : vector<16xf32>, vector<16xi32> -> vector<16xf32>
      %swap3A_391 = arith.constant 0 : i32
      %swap3A_392 = arith.index_cast %swap3A_391 : i32 to index
      %swap3A_393 = arith.index_cast %scan3A_117 : i32 to index
      %swap3A_394 = arith.constant 416 : index
      %swap3A_395 = tpu.vector_load %arg6[%swap3A_392, %swap3A_393, %swap3A_394] {strides = array<i32>} : memref<3x26x512xf32, #tpu.memory_space<vmem>>, vector<16xf32>,
      tpu.vector_store %arg6[%swap3A_392, %swap3A_393, %swap3A_394], %gather3A_390 {strides = array<i32>} : memref<3x26x512xf32, #tpu.memory_space<vmem>>, vector<16xf32>,
      %broadcast_in_dim3A_396 = vector.shape_cast %get3A_387 : vector<16xi32> to vector<16x1xi32>
      %gather3A_397 = vector.shape_cast %broadcast_in_dim3A_396 : vector<16x1xi32> to vector<16xi32>
      %gather3A_398 = tpu.dynamic_gather %get3A_26[%gather3A_397] in [0] : vector<16xf32>, vector<16xi32> -> vector<16xf32>
      %swap3A_399 = arith.constant 1 : i32
      %swap3A_400 = arith.index_cast %swap3A_399 : i32 to index
      %swap3A_401 = arith.index_cast %scan3A_117 : i32 to index
      %swap3A_402 = arith.constant 416 : index
      %swap3A_403 = tpu.vector_load %arg6[%swap3A_400, %swap3A_401, %swap3A_402] {strides = array<i32>} : memref<3x26x512xf32, #tpu.memory_space<vmem>>, vector<16xf32>,
      tpu.vector_store %arg6[%swap3A_400, %swap3A_401, %swap3A_402], %gather3A_398 {strides = array<i32>} : memref<3x26x512xf32, #tpu.memory_space<vmem>>, vector<16xf32>,
      %broadcast_in_dim3A_404 = vector.shape_cast %get3A_387 : vector<16xi32> to vector<16x1xi32>
      %gather3A_405 = vector.shape_cast %broadcast_in_dim3A_404 : vector<16x1xi32> to vector<16xi32>
      %gather3A_406 = tpu.dynamic_gather %get3A_28[%gather3A_405] in [0] : vector<16xf32>, vector<16xi32> -> vector<16xf32>
      %swap3A_407 = arith.constant 2 : i32
      %swap3A_408 = arith.index_cast %swap3A_407 : i32 to index
      %swap3A_409 = arith.index_cast %scan3A_117 : i32 to index
      %swap3A_410 = arith.constant 416 : index
      %swap3A_411 = tpu.vector_load %arg6[%swap3A_408, %swap3A_409, %swap3A_410] {strides = array<i32>} : memref<3x26x512xf32, #tpu.memory_space<vmem>>, vector<16xf32>,
      tpu.vector_store %arg6[%swap3A_408, %swap3A_409, %swap3A_410], %gather3A_406 {strides = array<i32>} : memref<3x26x512xf32, #tpu.memory_space<vmem>>, vector<16xf32>,
      %get3A_412 = arith.index_cast %scan3A_117 : i32 to index
      %get3A_413 = arith.constant 432 : index
      %get3A_414 = tpu.vector_load %arg5[%get3A_412, %get3A_413] {strides = array<i32>} : memref<26x512xi32, #tpu.memory_space<vmem>>, vector<16xi32>,
      %broadcast_in_dim3A_415 = vector.shape_cast %get3A_414 : vector<16xi32> to vector<16x1xi32>
      %gather3A_416 = vector.shape_cast %broadcast_in_dim3A_415 : vector<16x1xi32> to vector<16xi32>
      %gather3A_417 = tpu.dynamic_gather %get3A_24[%gather3A_416] in [0] : vector<16xf32>, vector<16xi32> -> vector<16xf32>
      %swap3A_418 = arith.constant 0 : i32
      %swap3A_419 = arith.index_cast %swap3A_418 : i32 to index
      %swap3A_420 = arith.index_cast %scan3A_117 : i32 to index
      %swap3A_421 = arith.constant 432 : index
      %swap3A_422 = tpu.vector_load %arg6[%swap3A_419, %swap3A_420, %swap3A_421] {strides = array<i32>} : memref<3x26x512xf32, #tpu.memory_space<vmem>>, vector<16xf32>,
      tpu.vector_store %arg6[%swap3A_419, %swap3A_420, %swap3A_421], %gather3A_417 {strides = array<i32>} : memref<3x26x512xf32, #tpu.memory_space<vmem>>, vector<16xf32>,
      %broadcast_in_dim3A_423 = vector.shape_cast %get3A_414 : vector<16xi32> to vector<16x1xi32>
      %gather3A_424 = vector.shape_cast %broadcast_in_dim3A_423 : vector<16x1xi32> to vector<16xi32>
      %gather3A_425 = tpu.dynamic_gather %get3A_26[%gather3A_424] in [0] : vector<16xf32>, vector<16xi32> -> vector<16xf32>
      %swap3A_426 = arith.constant 1 : i32
      %swap3A_427 = arith.index_cast %swap3A_426 : i32 to index
      %swap3A_428 = arith.index_cast %scan3A_117 : i32 to index
      %swap3A_429 = arith.constant 432 : index
      %swap3A_430 = tpu.vector_load %arg6[%swap3A_427, %swap3A_428, %swap3A_429] {strides = array<i32>} : memref<3x26x512xf32, #tpu.memory_space<vmem>>, vector<16xf32>,
      tpu.vector_store %arg6[%swap3A_427, %swap3A_428, %swap3A_429], %gather3A_425 {strides = array<i32>} : memref<3x26x512xf32, #tpu.memory_space<vmem>>, vector<16xf32>,
      %broadcast_in_dim3A_431 = vector.shape_cast %get3A_414 : vector<16xi32> to vector<16x1xi32>
      %gather3A_432 = vector.shape_cast %broadcast_in_dim3A_431 : vector<16x1xi32> to vector<16xi32>
      %gather3A_433 = tpu.dynamic_gather %get3A_28[%gather3A_432] in [0] : vector<16xf32>, vector<16xi32> -> vector<16xf32>
      %swap3A_434 = arith.constant 2 : i32
      %swap3A_435 = arith.index_cast %swap3A_434 : i32 to index
      %swap3A_436 = arith.index_cast %scan3A_117 : i32 to index
      %swap3A_437 = arith.constant 432 : index
      %swap3A_438 = tpu.vector_load %arg6[%swap3A_435, %swap3A_436, %swap3A_437] {strides = array<i32>} : memref<3x26x512xf32, #tpu.memory_space<vmem>>, vector<16xf32>,
      tpu.vector_store %arg6[%swap3A_435, %swap3A_436, %swap3A_437], %gather3A_433 {strides = array<i32>} : memref<3x26x512xf32, #tpu.memory_space<vmem>>, vector<16xf32>,
      %get3A_439 = arith.index_cast %scan3A_117 : i32 to index
      %get3A_440 = arith.constant 448 : index
      %get3A_441 = tpu.vector_load %arg5[%get3A_439, %get3A_440] {strides = array<i32>} : memref<26x512xi32, #tpu.memory_space<vmem>>, vector<16xi32>,
      %broadcast_in_dim3A_442 = vector.shape_cast %get3A_441 : vector<16xi32> to vector<16x1xi32>
      %gather3A_443 = vector.shape_cast %broadcast_in_dim3A_442 : vector<16x1xi32> to vector<16xi32>
      %gather3A_444 = tpu.dynamic_gather %get3A_24[%gather3A_443] in [0] : vector<16xf32>, vector<16xi32> -> vector<16xf32>
      %swap3A_445 = arith.constant 0 : i32
      %swap3A_446 = arith.index_cast %swap3A_445 : i32 to index
      %swap3A_447 = arith.index_cast %scan3A_117 : i32 to index
      %swap3A_448 = arith.constant 448 : index
      %swap3A_449 = tpu.vector_load %arg6[%swap3A_446, %swap3A_447, %swap3A_448] {strides = array<i32>} : memref<3x26x512xf32, #tpu.memory_space<vmem>>, vector<16xf32>,
      tpu.vector_store %arg6[%swap3A_446, %swap3A_447, %swap3A_448], %gather3A_444 {strides = array<i32>} : memref<3x26x512xf32, #tpu.memory_space<vmem>>, vector<16xf32>,
      %broadcast_in_dim3A_450 = vector.shape_cast %get3A_441 : vector<16xi32> to vector<16x1xi32>
      %gather3A_451 = vector.shape_cast %broadcast_in_dim3A_450 : vector<16x1xi32> to vector<16xi32>
      %gather3A_452 = tpu.dynamic_gather %get3A_26[%gather3A_451] in [0] : vector<16xf32>, vector<16xi32> -> vector<16xf32>
      %swap3A_453 = arith.constant 1 : i32
      %swap3A_454 = arith.index_cast %swap3A_453 : i32 to index
      %swap3A_455 = arith.index_cast %scan3A_117 : i32 to index
      %swap3A_456 = arith.constant 448 : index
      %swap3A_457 = tpu.vector_load %arg6[%swap3A_454, %swap3A_455, %swap3A_456] {strides = array<i32>} : memref<3x26x512xf32, #tpu.memory_space<vmem>>, vector<16xf32>,
      tpu.vector_store %arg6[%swap3A_454, %swap3A_455, %swap3A_456], %gather3A_452 {strides = array<i32>} : memref<3x26x512xf32, #tpu.memory_space<vmem>>, vector<16xf32>,
      %broadcast_in_dim3A_458 = vector.shape_cast %get3A_441 : vector<16xi32> to vector<16x1xi32>
      %gather3A_459 = vector.shape_cast %broadcast_in_dim3A_458 : vector<16x1xi32> to vector<16xi32>
      %gather3A_460 = tpu.dynamic_gather %get3A_28[%gather3A_459] in [0] : vector<16xf32>, vector<16xi32> -> vector<16xf32>
      %swap3A_461 = arith.constant 2 : i32
      %swap3A_462 = arith.index_cast %swap3A_461 : i32 to index
      %swap3A_463 = arith.index_cast %scan3A_117 : i32 to index
      %swap3A_464 = arith.constant 448 : index
      %swap3A_465 = tpu.vector_load %arg6[%swap3A_462, %swap3A_463, %swap3A_464] {strides = array<i32>} : memref<3x26x512xf32, #tpu.memory_space<vmem>>, vector<16xf32>,
      tpu.vector_store %arg6[%swap3A_462, %swap3A_463, %swap3A_464], %gather3A_460 {strides = array<i32>} : memref<3x26x512xf32, #tpu.memory_space<vmem>>, vector<16xf32>,
      %get3A_466 = arith.index_cast %scan3A_117 : i32 to index
      %get3A_467 = arith.constant 464 : index
      %get3A_468 = tpu.vector_load %arg5[%get3A_466, %get3A_467] {strides = array<i32>} : memref<26x512xi32, #tpu.memory_space<vmem>>, vector<16xi32>,
      %broadcast_in_dim3A_469 = vector.shape_cast %get3A_468 : vector<16xi32> to vector<16x1xi32>
      %gather3A_470 = vector.shape_cast %broadcast_in_dim3A_469 : vector<16x1xi32> to vector<16xi32>
      %gather3A_471 = tpu.dynamic_gather %get3A_24[%gather3A_470] in [0] : vector<16xf32>, vector<16xi32> -> vector<16xf32>
      %swap3A_472 = arith.constant 0 : i32
      %swap3A_473 = arith.index_cast %swap3A_472 : i32 to index
      %swap3A_474 = arith.index_cast %scan3A_117 : i32 to index
      %swap3A_475 = arith.constant 464 : index
      %swap3A_476 = tpu.vector_load %arg6[%swap3A_473, %swap3A_474, %swap3A_475] {strides = array<i32>} : memref<3x26x512xf32, #tpu.memory_space<vmem>>, vector<16xf32>,
      tpu.vector_store %arg6[%swap3A_473, %swap3A_474, %swap3A_475], %gather3A_471 {strides = array<i32>} : memref<3x26x512xf32, #tpu.memory_space<vmem>>, vector<16xf32>,
      %broadcast_in_dim3A_477 = vector.shape_cast %get3A_468 : vector<16xi32> to vector<16x1xi32>
      %gather3A_478 = vector.shape_cast %broadcast_in_dim3A_477 : vector<16x1xi32> to vector<16xi32>
      %gather3A_479 = tpu.dynamic_gather %get3A_26[%gather3A_478] in [0] : vector<16xf32>, vector<16xi32> -> vector<16xf32>
      %swap3A_480 = arith.constant 1 : i32
      %swap3A_481 = arith.index_cast %swap3A_480 : i32 to index
      %swap3A_482 = arith.index_cast %scan3A_117 : i32 to index
      %swap3A_483 = arith.constant 464 : index
      %swap3A_484 = tpu.vector_load %arg6[%swap3A_481, %swap3A_482, %swap3A_483] {strides = array<i32>} : memref<3x26x512xf32, #tpu.memory_space<vmem>>, vector<16xf32>,
      tpu.vector_store %arg6[%swap3A_481, %swap3A_482, %swap3A_483], %gather3A_479 {strides = array<i32>} : memref<3x26x512xf32, #tpu.memory_space<vmem>>, vector<16xf32>,
      %broadcast_in_dim3A_485 = vector.shape_cast %get3A_468 : vector<16xi32> to vector<16x1xi32>
      %gather3A_486 = vector.shape_cast %broadcast_in_dim3A_485 : vector<16x1xi32> to vector<16xi32>
      %gather3A_487 = tpu.dynamic_gather %get3A_28[%gather3A_486] in [0] : vector<16xf32>, vector<16xi32> -> vector<16xf32>
      %swap3A_488 = arith.constant 2 : i32
      %swap3A_489 = arith.index_cast %swap3A_488 : i32 to index
      %swap3A_490 = arith.index_cast %scan3A_117 : i32 to index
      %swap3A_491 = arith.constant 464 : index
      %swap3A_492 = tpu.vector_load %arg6[%swap3A_489, %swap3A_490, %swap3A_491] {strides = array<i32>} : memref<3x26x512xf32, #tpu.memory_space<vmem>>, vector<16xf32>,
      tpu.vector_store %arg6[%swap3A_489, %swap3A_490, %swap3A_491], %gather3A_487 {strides = array<i32>} : memref<3x26x512xf32, #tpu.memory_space<vmem>>, vector<16xf32>,
      %get3A_493 = arith.index_cast %scan3A_117 : i32 to index
      %get3A_494 = arith.constant 480 : index
      %get3A_495 = tpu.vector_load %arg5[%get3A_493, %get3A_494] {strides = array<i32>} : memref<26x512xi32, #tpu.memory_space<vmem>>, vector<16xi32>,
      %broadcast_in_dim3A_496 = vector.shape_cast %get3A_495 : vector<16xi32> to vector<16x1xi32>
      %gather3A_497 = vector.shape_cast %broadcast_in_dim3A_496 : vector<16x1xi32> to vector<16xi32>
      %gather3A_498 = tpu.dynamic_gather %get3A_24[%gather3A_497] in [0] : vector<16xf32>, vector<16xi32> -> vector<16xf32>
      %swap3A_499 = arith.constant 0 : i32
      %swap3A_500 = arith.index_cast %swap3A_499 : i32 to index
      %swap3A_501 = arith.index_cast %scan3A_117 : i32 to index
      %swap3A_502 = arith.constant 480 : index
      %swap3A_503 = tpu.vector_load %arg6[%swap3A_500, %swap3A_501, %swap3A_502] {strides = array<i32>} : memref<3x26x512xf32, #tpu.memory_space<vmem>>, vector<16xf32>,
      tpu.vector_store %arg6[%swap3A_500, %swap3A_501, %swap3A_502], %gather3A_498 {strides = array<i32>} : memref<3x26x512xf32, #tpu.memory_space<vmem>>, vector<16xf32>,
      %broadcast_in_dim3A_504 = vector.shape_cast %get3A_495 : vector<16xi32> to vector<16x1xi32>
      %gather3A_505 = vector.shape_cast %broadcast_in_dim3A_504 : vector<16x1xi32> to vector<16xi32>
      %gather3A_506 = tpu.dynamic_gather %get3A_26[%gather3A_505] in [0] : vector<16xf32>, vector<16xi32> -> vector<16xf32>
      %swap3A_507 = arith.constant 1 : i32
      %swap3A_508 = arith.index_cast %swap3A_507 : i32 to index
      %swap3A_509 = arith.index_cast %scan3A_117 : i32 to index
      %swap3A_510 = arith.constant 480 : index
      %swap3A_511 = tpu.vector_load %arg6[%swap3A_508, %swap3A_509, %swap3A_510] {strides = array<i32>} : memref<3x26x512xf32, #tpu.memory_space<vmem>>, vector<16xf32>,
      tpu.vector_store %arg6[%swap3A_508, %swap3A_509, %swap3A_510], %gather3A_506 {strides = array<i32>} : memref<3x26x512xf32, #tpu.memory_space<vmem>>, vector<16xf32>,
      %broadcast_in_dim3A_512 = vector.shape_cast %get3A_495 : vector<16xi32> to vector<16x1xi32>
      %gather3A_513 = vector.shape_cast %broadcast_in_dim3A_512 : vector<16x1xi32> to vector<16xi32>
      %gather3A_514 = tpu.dynamic_gather %get3A_28[%gather3A_513] in [0] : vector<16xf32>, vector<16xi32> -> vector<16xf32>
      %swap3A_515 = arith.constant 2 : i32
      %swap3A_516 = arith.index_cast %swap3A_515 : i32 to index
      %swap3A_517 = arith.index_cast %scan3A_117 : i32 to index
      %swap3A_518 = arith.constant 480 : index
      %swap3A_519 = tpu.vector_load %arg6[%swap3A_516, %swap3A_517, %swap3A_518] {strides = array<i32>} : memref<3x26x512xf32, #tpu.memory_space<vmem>>, vector<16xf32>,
      tpu.vector_store %arg6[%swap3A_516, %swap3A_517, %swap3A_518], %gather3A_514 {strides = array<i32>} : memref<3x26x512xf32, #tpu.memory_space<vmem>>, vector<16xf32>,
      %get3A_520 = arith.index_cast %scan3A_117 : i32 to index
      %get3A_521 = arith.constant 496 : index
      %get3A_522 = tpu.vector_load %arg5[%get3A_520, %get3A_521] {strides = array<i32>} : memref<26x512xi32, #tpu.memory_space<vmem>>, vector<16xi32>,
      %broadcast_in_dim3A_523 = vector.shape_cast %get3A_522 : vector<16xi32> to vector<16x1xi32>
      %gather3A_524 = vector.shape_cast %broadcast_in_dim3A_523 : vector<16x1xi32> to vector<16xi32>
      %gather3A_525 = tpu.dynamic_gather %get3A_24[%gather3A_524] in [0] : vector<16xf32>, vector<16xi32> -> vector<16xf32>
      %swap3A_526 = arith.constant 0 : i32
      %swap3A_527 = arith.index_cast %swap3A_526 : i32 to index
      %swap3A_528 = arith.index_cast %scan3A_117 : i32 to index
      %swap3A_529 = arith.constant 496 : index
      %swap3A_530 = tpu.vector_load %arg6[%swap3A_527, %swap3A_528, %swap3A_529] {strides = array<i32>} : memref<3x26x512xf32, #tpu.memory_space<vmem>>, vector<16xf32>,
      tpu.vector_store %arg6[%swap3A_527, %swap3A_528, %swap3A_529], %gather3A_525 {strides = array<i32>} : memref<3x26x512xf32, #tpu.memory_space<vmem>>, vector<16xf32>,
      %broadcast_in_dim3A_531 = vector.shape_cast %get3A_522 : vector<16xi32> to vector<16x1xi32>
      %gather3A_532 = vector.shape_cast %broadcast_in_dim3A_531 : vector<16x1xi32> to vector<16xi32>
      %gather3A_533 = tpu.dynamic_gather %get3A_26[%gather3A_532] in [0] : vector<16xf32>, vector<16xi32> -> vector<16xf32>
      %swap3A_534 = arith.constant 1 : i32
      %swap3A_535 = arith.index_cast %swap3A_534 : i32 to index
      %swap3A_536 = arith.index_cast %scan3A_117 : i32 to index
      %swap3A_537 = arith.constant 496 : index
      %swap3A_538 = tpu.vector_load %arg6[%swap3A_535, %swap3A_536, %swap3A_537] {strides = array<i32>} : memref<3x26x512xf32, #tpu.memory_space<vmem>>, vector<16xf32>,
      tpu.vector_store %arg6[%swap3A_535, %swap3A_536, %swap3A_537], %gather3A_533 {strides = array<i32>} : memref<3x26x512xf32, #tpu.memory_space<vmem>>, vector<16xf32>,
      %broadcast_in_dim3A_539 = vector.shape_cast %get3A_522 : vector<16xi32> to vector<16x1xi32>
      %gather3A_540 = vector.shape_cast %broadcast_in_dim3A_539 : vector<16x1xi32> to vector<16xi32>
      %gather3A_541 = tpu.dynamic_gather %get3A_28[%gather3A_540] in [0] : vector<16xf32>, vector<16xi32> -> vector<16xf32>
      %swap3A_542 = arith.constant 2 : i32
      %swap3A_543 = arith.index_cast %swap3A_542 : i32 to index
      %swap3A_544 = arith.index_cast %scan3A_117 : i32 to index
      %swap3A_545 = arith.constant 496 : index
      %swap3A_546 = tpu.vector_load %arg6[%swap3A_543, %swap3A_544, %swap3A_545] {strides = array<i32>} : memref<3x26x512xf32, #tpu.memory_space<vmem>>, vector<16xf32>,
      tpu.vector_store %arg6[%swap3A_543, %swap3A_544, %swap3A_545], %gather3A_541 {strides = array<i32>} : memref<3x26x512xf32, #tpu.memory_space<vmem>>, vector<16xf32>,
    }
    %scan3A_72 = arith.constant 26 : i32
    %add3A_73 = arith.constant 256 : i32
    %add3A_74 = arith.addi %mul3A_2, %add3A_73 : i32
    %dma_start3A_75 = arith.constant 0 : i32
    %dma_start3A_76 = arith.constant 0 : i32
    %dma_start3A_77 = arith.constant 256 : i32
    %dma_start3A_78 = tpu.memref_slice %arg6[%dma_start3A_75, %dma_start3A_76, %dma_start3A_77] : memref<3x26x512xf32, #tpu.memory_space<vmem>> -> memref<3x26x256xf32, #tpu.memory_space<vmem>>
    %dma_start3A_79 = arith.constant 0 : i32
    %dma_start3A_80 = arith.constant 0 : i32
    %dma_start3A_81 = tpu.memref_slice %arg4[%dma_start3A_79, %dma_start3A_80, %add3A_74] : memref<3x26x16384xf32, #tpu.memory_space<hbm>> -> memref<3x26x256xf32, #tpu.memory_space<hbm>>
    %dma_start3A_82 = arith.constant 0 : i32
    %dma_start3A_83 = arith.constant 0 : i32
    %dma_start3A_84 = tpu.memref_slice %arg4[%dma_start3A_82, %dma_start3A_83, %add3A_74] : memref<3x26x16384xf32, #tpu.memory_space<hbm>> -> memref<3x26x256xf32, #tpu.memory_space<hbm>>
    %dma_start3A_85 = arith.constant 0 : i32
    %dma_start3A_86 = arith.constant 0 : i32
    %dma_start3A_87 = arith.constant 256 : i32
    %dma_start3A_88 = tpu.memref_slice %arg6[%dma_start3A_85, %dma_start3A_86, %dma_start3A_87] : memref<3x26x512xf32, #tpu.memory_space<vmem>> -> memref<3x26x256xf32, #tpu.memory_space<vmem>>
    tpu.enqueue_dma source(%dma_start3A_88 : memref<3x26x256xf32, #tpu.memory_space<vmem>>) target(%dma_start3A_84 : memref<3x26x256xf32, #tpu.memory_space<hbm>>) target_semaphore(%arg11 : memref<!tpu.dma_semaphore, #tpu.memory_space<semaphore_mem>>)
    %dma_wait3A_89 = arith.constant 0 : i32
    %dma_wait3A_90 = arith.constant 0 : i32
    %dma_wait3A_91 = arith.constant 0 : i32
    %dma_wait3A_92 = tpu.memref_slice %arg6[%dma_wait3A_89, %dma_wait3A_90, %dma_wait3A_91] : memref<3x26x512xf32, #tpu.memory_space<vmem>> -> memref<3x26x256xf32, #tpu.memory_space<vmem>>
    %dma_wait3A_93 = arith.constant 0 : i32
    %dma_wait3A_94 = arith.constant 0 : i32
    %dma_wait3A_95 = tpu.memref_slice %arg4[%dma_wait3A_93, %dma_wait3A_94, %mul3A_2] : memref<3x26x16384xf32, #tpu.memory_space<hbm>> -> memref<3x26x256xf32, #tpu.memory_space<hbm>>
    %dma_wait3A_96 = arith.constant 0 : i32
    %dma_wait3A_97 = arith.constant 0 : i32
    %dma_wait3A_98 = tpu.memref_slice %arg4[%dma_wait3A_96, %dma_wait3A_97, %mul3A_2] : memref<3x26x16384xf32, #tpu.memory_space<hbm>> -> memref<3x26x256xf32, #tpu.memory_space<hbm>>
    %dma_wait3A_99 = arith.constant 0 : i32
    %dma_wait3A_100 = arith.constant 0 : i32
    %dma_wait3A_101 = arith.constant 0 : i32
    %dma_wait3A_102 = tpu.memref_slice %arg6[%dma_wait3A_99, %dma_wait3A_100, %dma_wait3A_101] : memref<3x26x512xf32, #tpu.memory_space<vmem>> -> memref<3x26x256xf32, #tpu.memory_space<vmem>>
    tpu.wait_dma2 semaphore(%arg10 : memref<!tpu.dma_semaphore, #tpu.memory_space<semaphore_mem>>) src(%dma_wait3A_102 : memref<3x26x256xf32, #tpu.memory_space<vmem>>) dst(%dma_wait3A_98 : memref<3x26x256xf32, #tpu.memory_space<hbm>>)
    %dma_wait3A_103 = arith.constant 0 : i32
    %dma_wait3A_104 = arith.constant 0 : i32
    %dma_wait3A_105 = arith.constant 256 : i32
    %dma_wait3A_106 = tpu.memref_slice %arg6[%dma_wait3A_103, %dma_wait3A_104, %dma_wait3A_105] : memref<3x26x512xf32, #tpu.memory_space<vmem>> -> memref<3x26x256xf32, #tpu.memory_space<vmem>>
    %dma_wait3A_107 = arith.constant 0 : i32
    %dma_wait3A_108 = arith.constant 0 : i32
    %dma_wait3A_109 = tpu.memref_slice %arg4[%dma_wait3A_107, %dma_wait3A_108, %add3A_74] : memref<3x26x16384xf32, #tpu.memory_space<hbm>> -> memref<3x26x256xf32, #tpu.memory_space<hbm>>
    %dma_wait3A_110 = arith.constant 0 : i32
    %dma_wait3A_111 = arith.constant 0 : i32
    %dma_wait3A_112 = tpu.memref_slice %arg4[%dma_wait3A_110, %dma_wait3A_111, %add3A_74] : memref<3x26x16384xf32, #tpu.memory_space<hbm>> -> memref<3x26x256xf32, #tpu.memory_space<hbm>>
    %dma_wait3A_113 = arith.constant 0 : i32
    %dma_wait3A_114 = arith.constant 0 : i32
    %dma_wait3A_115 = arith.constant 256 : i32
    %dma_wait3A_116 = tpu.memref_slice %arg6[%dma_wait3A_113, %dma_wait3A_114, %dma_wait3A_115] : memref<3x26x512xf32, #tpu.memory_space<vmem>> -> memref<3x26x256xf32, #tpu.memory_space<vmem>>
    tpu.wait_dma2 semaphore(%arg11 : memref<!tpu.dma_semaphore, #tpu.memory_space<semaphore_mem>>) src(%dma_wait3A_116 : memref<3x26x256xf32, #tpu.memory_space<vmem>>) dst(%dma_wait3A_112 : memref<3x26x256xf32, #tpu.memory_space<hbm>>)
    return
  }
}

</mosaic_0001>

<sc_bundles>
// kernel: kernel.3.cloned.1.call-start
scs
__scs_entry_jumppad:
0x0: {  	(pc) =	sbr.rel $0x88, $3  }
0x1: {  	(tag) =	ssettag $0x0;
	lr =	simm.s32 $0x1  }
0x2: {  	[smem:$0x3F9F] =	sst lr;
	_ =	strace $0xD0000000  }
0x3: {  	_ = 	snop  }
0x4: {  	_ = 	snop  }
0x5: {  	_ = 	snop  }
0x6: {  	_ = 	snop  }
0x7: {  	_ = 	snop  }
__scs_overlays_trampoline_lowered:
0x8: {  	[smem:$0x3FAE] =	sst s0  }
0x9: {  	[smem:$0x3FAF] =	sst s1  }
0xa: {  	[smem:$0x3FB0] =	sst s2  }
0xb: {  	[smem:$0x3FB1] =	sst s3  }
0xc: {  	[smem:$0x3FB2] =	sst s4  }
0xd: {  	[smem:$0x3FB3] =	sst s5  }
0xe: {  	[smem:$0x3FB4] =	sst s6  }
0xf: {  	[smem:$0x3FB5] =	sst s7  }
0x10: {  	[smem:$0x3FB6] =	sst s8  }
0x11: {  	[smem:$0x3FB7] =	sst s9;
	s0 =	simm.s32 @!p0 $0x0  }
0x12: {  	s1 =	sld [smem:$0x3F9D];
	s0 =	simm.s32 @p0 $0x1  }
0x13: {  	[smem:$0x3FB8] =	sst s0;
	s0 =	simm.s32 @!p1 $0x0  }
0x14: {  	s2 =	sld [smem:$0x3F9C];
	s0 =	simm.s32 @p1 $0x1  }
0x15: {  	[smem:$0x3FB9] =	sst s0;
	s0 =	simm.s32 @!p2 $0x0  }
0x16: {  	s3 =	sld [smem:$0x3FDB];
	s0 =	simm.s32 @p2 $0x1  }
0x17: {  	s4 =	simm.s32 $0x1BF5;
	[smem:$0x3FBB] =	sst s0  }
0x18: {  	s0 =	sld [smem:$0x3F9E];
	_ =	swait.ge [sflag:s4], $0x0  }
0x19: {  	s7 =	sld [smem:$0x3F9F]  }
0x1a: {  	s8 =	sadd.s32 $0xFFFFE003, lr  }
0x1b: {  	s9 =	sadd.s32 $0xFFFFFEF7, lr;
	s5 =	simm.s32 $0xFFFFFFFF;
	p2 =	slt.u32 s8, $0xFFFFF086  }
0x1c: {  	p1 =	slt.u32 s9, $0xF7A;
	s5 =	simm.s32 @!p2 $0x0  }
0x1d: {  	s5 =	simm.s32 @p1 $0x1;
	p0 =	seq.s32 s7, s2  }
0x1e: {  	s7 =	smul.u32 @!p0 $0xF7A, s2;
	p2 =	seq.s32 @!p0 s5, $0x0  }
0x1f: {  	s9 =	smul.u32 $0xF7A, s1;
	s8 =	simm.s32 @!p0 $0x1BF5;
	p2 =	por !p2, p0  }
0x20: {  	[sflag:s8] =	ssyncset.s32 @!p0 $0xFFFFF086;
	s6 =	sadd.s32 @!p0 s3, s7;
	s7 =	simm.s32 @!p0 $0x108  }
0x21: {  	s3 =	sadd.s32 s3, s9;
	s6 =	sadd.s32 @!p0 $0x88, s6;
	s7 =	simm.s32 @p2 $0x1082  }
0x22: {  	[simem:s7], [sflag:s8] =	dma.local @!p0 [hbm:s6], $0xF7A  }
0x23: {  	s9 =	sor.u32 $0xD0000000, s2;
	s6 =	simm.s32 $0x108;
	_ =	swait.ge @!p0 [sflag:s8], $0x0  }
0x24: {  	s3 =	sadd.s32 $0x88, s3;
	s6 =	simm.s32 @!p1 $0x1082;
	[sflag:s4] =	ssyncset.s32 $0xFFFFF086  }
0x25: {  	[simem:s6], [sflag:s4] =	dma.local [hbm:s3], $0xF7A  }
0x26: {  	[smem:$0x3F9F] =	sst s1;
	(tag) =	ssettag s2;
	_ =	strace s9  }
0x27: {  	s1 =	sld [smem:$0x3FAF]  }
0x28: {  	s2 =	sld [smem:$0x3FB0]  }
0x29: {  	s4 =	sld [smem:$0x3FB2]  }
0x2a: {  	p0 =	seq.s32 s5, $0x0;
	s5 =	sld [smem:$0x3FB3]  }
0x2b: {  	s6 =	sld [smem:$0x3FB4]  }
0x2c: {  	s7 =	sld [smem:$0x3FB5]  }
0x2d: {  	s3 =	simm.s32 $0x108;
	s8 =	sld [smem:$0x3FB6]  }
0x2e: {  	s3 =	simm.s32 @!p0 $0x1082;
	s9 =	sld [smem:$0x3FB7]  }
0x2f: {  	lr =	sadd.s32 s0, s3;
	s0 =	sld [smem:$0x3FAE]  }
0x30: {  	s3 =	sld [smem:$0x3FB1]  }
0x31: {  	[smem:$0x3FBA] =	sst s10  }
0x32: {  	s10 =	sld [smem:$0x3FB8];
	_ =	sdelay $0x3  }
0x33: {  	p0 =	seq.s32 s10, $0x1;
	s10 =	sld [smem:$0x3FBA];
	_ =	sdelay $0x3  }
0x34: {  	[smem:$0x3FBA] =	sst s10  }
0x35: {  	s10 =	sld [smem:$0x3FB9];
	_ =	sdelay $0x3  }
0x36: {  	p1 =	seq.s32 s10, $0x1;
	s10 =	sld [smem:$0x3FBA];
	_ =	sdelay $0x3  }
0x37: {  	[smem:$0x3FBA] =	sst s10  }
0x38: {  	s10 =	sld [smem:$0x3FBB]  }
0x39: {  	_ = 	snop;
	(pc) =	sbr.ind lr, $3  }
0x3a: {  	_ = 	snop  }
0x3b: {  	_ = 	snop  }
0x3c: {  	p2 =	seq.s32 s10, $0x1;
	s10 =	sld [smem:$0x3FBA]  }
0x3d: {  	_ =	shalt  }
0x3e: {  	_ =	shalt  }
0x3f: {  	_ =	shalt  }
0x40: {  	_ =	shalt  }
0x41: {  	_ =	shalt  }
0x42: {  	_ =	shalt  }
0x43: {  	_ =	shalt  }
0x44: {  	_ =	shalt  }
0x45: {  	_ =	shalt  }
0x46: {  	_ =	shalt  }
0x47: {  	_ =	shalt  }
0x48: {  	_ =	shalt  }
0x49: {  	_ =	shalt  }
0x4a: {  	_ =	shalt  }
0x4b: {  	_ =	shalt  }
0x4c: {  	_ =	shalt  }
0x4d: {  	_ =	shalt  }
0x4e: {  	_ =	shalt  }
0x4f: {  	_ =	shalt  }
0x50: {  	_ =	shalt  }
0x51: {  	_ =	shalt  }
0x52: {  	_ =	shalt  }
0x53: {  	_ =	shalt  }
0x54: {  	_ =	shalt  }
0x55: {  	_ =	shalt  }
0x56: {  	_ =	shalt  }
0x57: {  	_ =	shalt  }
0x58: {  	_ =	shalt  }
0x59: {  	_ =	shalt  }
0x5a: {  	_ =	shalt  }
0x5b: {  	_ =	shalt  }
0x5c: {  	_ =	shalt  }
0x5d: {  	_ =	shalt  }
0x5e: {  	_ =	shalt  }
0x5f: {  	_ =	shalt  }
0x60: {  	_ =	shalt  }
0x61: {  	_ =	shalt  }
0x62: {  	_ =	shalt  }
0x63: {  	_ =	shalt  }
0x64: {  	_ =	shalt  }
0x65: {  	_ =	shalt  }
0x66: {  	_ =	shalt  }
0x67: {  	_ =	shalt  }
0x68: {  	_ =	shalt  }
0x69: {  	_ =	shalt  }
0x6a: {  	_ =	shalt  }
0x6b: {  	_ =	shalt  }
0x6c: {  	_ =	shalt  }
0x6d: {  	_ =	shalt  }
0x6e: {  	_ =	shalt  }
0x6f: {  	_ =	shalt  }
0x70: {  	_ =	shalt  }
0x71: {  	_ =	shalt  }
0x72: {  	_ =	shalt  }
0x73: {  	_ =	shalt  }
0x74: {  	_ =	shalt  }
0x75: {  	_ =	shalt  }
0x76: {  	_ =	shalt  }
0x77: {  	_ =	shalt  }
0x78: {  	_ =	shalt  }
0x79: {  	_ =	shalt  }
0x7a: {  	_ =	shalt  }
0x7b: {  	_ =	shalt  }
0x7c: {  	_ =	shalt  }
0x7d: {  	_ =	shalt  }
0x7e: {  	_ =	shalt  }
0x7f: {  	_ =	shalt  }
0x80: {  	_ =	shalt  }
0x81: {  	_ =	shalt  }
0x82: {  	_ =	shalt  }
0x83: {  	_ =	shalt  }
0x84: {  	_ =	shalt  }
0x85: {  	_ =	shalt  }
0x86: {  	_ =	shalt  }
0x87: {  	_ =	shalt  }
.Lfunc_end0:
.L_simem_size_0:
called_computation_lowered:
.L_overlay_start_0:
0x88: {  	s2 =	sld [smem:$0x3FD9]  }
0x89: {  	s3 =	sld [smem:$0x3FFE];
	_ =	sdelay $0x1  }
0x8a: {  	s1 =	srdreg.scid  }
0x8b: {  	s0 =	sand.u32 $0x1, s1  }
0x8c: {  	s17 =	sshll.u32 s0, $0xA;
	s2 =	sadd.s32 s3, s2  }
0x8d: {  	s2 =	sadd.s32 s2, s17  }
0x8e: {  	[smem:$0x3FC6] =	sst s2  }
0x8f: {  	_ = 	snop  }
0x90: {  	s2 =	sld [smem:$0x3FC9]  }
0x91: {  	s18 =	sld [smem:$0x3FD0];
	(tm) =	ssettm $0x1  }
0x92: {  	s4 =	sld [smem:$0x3FFB];
	_ =	sdelay $0x3  }
0x93: {  	_ =	strace s4  }
0x94: {  	s4 =	sld [smem:$0x3FFC];
	_ =	sdelay $0x3  }
0x95: {  	_ =	strace s4  }
0x96: {  	s4 =	sld [smem:$0x3FFD];
	_ =	sdelay $0x3  }
0x97: {  	_ =	strace s4  }
0x98: {  	_ =	strace $0x8FFFFFFF  }
0x99: {  	s19 =	sld [smem:$0x3FDB];
	_ =	sdelay $0x1  }
0x9a: {  	s5 =	simm.s32 $_scs_section_size  }
0x9b: {  	s6 =	simm.s32 $_size__tile_overlayer_lowered;
	s7 =	simm.s32 $_tile_overlayer_lowered  }
0x9c: {  	s22 =	simm.s32 $0x1BFF;
	s21 =	sshll.u32 s7, $0x1;
	s4 =	sadd.s32 s5, s19  }
0x9d: {  	s8 =	simm.s32 $0x0;
	s20 =	sshll.u32 s6, $0x1;
	s6 =	sadd.s32 s21, s4  }
0x9e: {  	[timem:s8], [sflag:s22] =	dma.local [hbm:s6], s20  }
0x9f: {  	_ =	swait.ge [sflag:s22], s20  }
0xa0: {  	s5 =	ssub.s32 $0x0, s20;
	[sflag:s22] =	ssyncset.done $0x0  }
0xa1: {  	[sflag:s22] =	ssyncadd.s32 s5;
	_ =	sdelay $0x1  }
0xa2: {  	s23 =	simm.s32 $0x1B8B  }
0xa3: {  	_ =	swait.ge [sflag:s23], $0x1  }
0xa4: {  	[sflag:s23] =	ssyncset.done $0x0  }
0xa5: {  	s25 =	simm.s32 $0x1B8E;
	s24 =	sld [smem:$0x3FFE];
	[sflag:s23] =	ssyncadd.s32 $0xFFFFFFFF  }
0xa6: {  	s26 =	simm.s32 $execute0_lowered;
	[smem:$0x3FD2] =	sst s25  }
0xa7: {  	s6 =	sshll.u32 s26, $0x1;
	_ =	strace $0x80000046;
	[dreg:$0x1] =	wrdreg $0xFFFFFFFF  }
0xa8: {  	s28 =	simm.s32 $_size_execute0_lowered;
	s4 =	sadd.s32 s4, s6;
	[dreg:$0x0] =	wrdreg $0x0  }
0xa9: {  	s6 =	sshll.u32 s28, $0x1;
	[dreg:$0x2] =	wrdreg s4  }
0xaa: {  	[dreg:$0x3] =	wrdreg s6  }
0xab: {  	[dreg:$0x4] =	wrdreg $0xC0  }
0xac: {  	_ =	task [dreg:s8], $0x5FFFF  }
0xad: {  	[dreg:$0x1] =	wrdreg $0xFFFFFFFF  }
0xae: {  	[dreg:$0x0] =	wrdreg $0x60  }
0xaf: {  	[dreg:$0x2] =	wrdreg s2  }
0xb0: {  	[dreg:$0x3] =	wrdreg s24  }
0xb1: {  	[dreg:$0x4] =	wrdreg s18  }
0xb2: {  	[dreg:$0x5] =	wrdreg $0x9  }
0xb3: {  	_ =	task.clear_ibuf [dreg:s8], $0x6FFFF;
	_ =	strace $0x90000046  }
0xb4: {  	s29 =	simm.s32 $0x9;
	_ =	strace $0x80000048  }
0xb5: {  	_ =	swait.ge [sflag:s29], $0x1  }
0xb6: {  	[sflag:s29] =	ssyncadd.s32 $0xFFFFFFFF  }
0xb7: {  	_ =	strace $0x90000048  }
0xb8: {  	_ =	sfence  }
0xb9: {  	s30 =	sld [smem:$0x0];
	_ =	sdelay $0x2  }
0xba: {  	s31 =	sshll.u32 s1, $0xD;
	s1 =	sshrl.u32 s1, $0x2  }
0xbb: {  	s3 =	sand.u32 $0x4000, s31;
	s1 =	sadd.s32 s1, s30  }
0xbc: {  	s0 =	sor.u32 s3, s0;
	s1 =	sshll.u32 s1, $0x11  }
0xbd: {  	s0 =	sor.u32 s1, s0  }
0xbe: {  	s0 =	sadd.s32 $0x8F2B, s0  }
0xbf: {  	[sflag:s0] =	ssyncadd.remote.s32 $0x1  }
0xc0: {  	_ =	sfence.sel $0xFFFF  }
0xc1: {  	[dreg:$0x0] =	wrdreg $0xFFFFFFFF;
	(pc) =	sbr.abs _section_cstart, $3  }
0xc2: {  	[dreg:$0x1] =	wrdreg $0xFFFFFFFF  }
0xc3: {  	_ =	task.clear_ibuf [dreg:s8], $0x2FFFF;
	_ =	strace $0x9FFFFFFF  }
0xc4: {  	(tm) =	ssettm $0x7FFFFFFF  }
0xc5: {  	_ =	shalt  }
tec
execute0_lowered:
.L_overlay_start_1:
0x0: {  	(tag) =	ssettag $0x1  }
0x1: {  	s0 =	rddreg [dreg:$0x0]  }
0x2: {  	s1 =	rddreg [dreg:$0x1]  }
0x3: {  	s7 =	rddreg [dreg:$0x2]  }
0x4: {  	s2 =	simm.s32 $0x0;
	s3 =	srdreg.scid;
	s5 =	stileid.u32  }
0x5: {  	s23 =	simm.s32 $0x5;
	s24 =	simm.s32 $0x1;
	s19 =	simm.s32 $0x2  }
0x6: {  	s30 =	simm.s32 $0xB800;
	s31 =	simm.s32 $0xC800;
	s15 =	simm.s32 $0xF800  }
0x7: {  	s16 =	simm.s32 $0x3;
	s17 =	simm.s32 $0x4;
	s18 =	simm.s32 $0x0  }
0x8: {  	[smem:$0x7FF] =	sst s2;
	s3 =	sand.u32 $0x1, s3;
	s5 =	sshll.u32 s5, $0xA  }
0x9: {  	_ =	strace $0x80000047;
	s4 =	ssub.s32 $0x2, s3;
	s6 =	sshll.u32 s3, $0x9  }
0xa: {  	s3 =	sadd.s32 $0x400, s1;
	s29 =	sshrl.u32 s4, $0x1;
	s6 =	sor.u32 s6, s5  }
0xb: {  	s1 =	ssub.s32 s4, s29;
	s4 =	sadd.s32 s0, s6;
	s8 =	sor.u32 $0x100, s6  }
0xc: {  	s6 =	sadd.s32 s7, s6;
	s5 =	sadd.s32 s0, s8;
	s7 =	sadd.s32 s7, s8  }
0xd: {  	s8 =	smax.u32 s1, $0x1;
	s9 =	sadd.s32 $0x4000, s4;
	s10 =	sadd.s32 $0x8000, s4  }
0xe: {  	s11 =	sadd.s32 $0xC000, s4;
	s0 =	simm.s32 $0xD800;
	s1 =	simm.s32 $0xE800  }
0xf: {  	s12 =	sadd.s32 $0x4000, s5;
	s13 =	sadd.s32 $0x8000, s5;
	s14 =	sadd.s32 $0xC000, s5  }
.LBB2_1:
0x10: {  	[tilespmem:s2], [sflag:$0x1] =	stream.linear.gather [hbm4b:s4+s2], $0x800, $0x38;
	[tilespmem:$0x10080] =	vst v63  }
0x11: {  	s20 =	simm.s32 $0x1000  }
0x12: {  	[tilespmem:s20], [sflag:$0x1] =	stream.linear.gather [hbm4b:s9+s2], $0x800, $0x38;
	[tilespmem:$0x10080] =	vst v63  }
0x13: {  	s28 =	simm.s32 $0x2000  }
0x14: {  	[tilespmem:s28], [sflag:$0x1] =	stream.linear.gather [hbm4b:s10+s2], $0x800, $0x38;
	[tilespmem:$0x10080] =	vst v63  }
0x15: {  	s29 =	simm.s32 $0x3000  }
0x16: {  	[tilespmem:s29], [sflag:$0x1] =	stream.linear.gather [hbm4b:s11+s2], $0x800, $0x38;
	[tilespmem:$0x10080] =	vst v63  }
0x17: {  	s21 =	simm.s32 $0x800  }
0x18: {  	[tilespmem:s21], [sflag:$0x2] =	stream.linear.gather [hbm4b:s5+s2], $0x800, $0x38;
	[tilespmem:$0x10080] =	vst v63  }
0x19: {  	s22 =	simm.s32 $0x1800  }
0x1a: {  	[tilespmem:s22], [sflag:$0x2] =	stream.linear.gather [hbm4b:s12+s2], $0x800, $0x38;
	[tilespmem:$0x10080] =	vst v63  }
0x1b: {  	s25 =	simm.s32 $0x2800  }
0x1c: {  	[tilespmem:s25], [sflag:$0x2] =	stream.linear.gather [hbm4b:s13+s2], $0x800, $0x38;
	[tilespmem:$0x10080] =	vst v63  }
0x1d: {  	s26 =	simm.s32 $0x3800  }
0x1e: {  	[tilespmem:s26], [sflag:$0x2] =	stream.linear.gather [hbm4b:s14+s2], $0x800, $0x38;
	[tilespmem:$0x10080] =	vst v63  }
0x1f: {  	s28 =	simm.s32 $0x10000  }
0x20: {  	[tilespmem:s28], [sflag:$0x5] =	stream.linear.gather [hbm4b:s3+s2], $0x80, $0x38;
	[tilespmem:$0x10080] =	vst v63  }
0x21: {  	_ =	swait.ge [sflag:s23], $0x80  }
0x22: {  	[sflag:s23] =	ssyncset.done $0x0  }
0x23: {  	[sflag:s23] =	ssyncadd.s32 $0xFFFFFF80  }
0x24: {  	v0 =	vld [tilespmem:$0x10000]  }
0x25: {  	v1 =	vld [tilespmem:$0x10010]  }
0x26: {  	v2 =	vld [tilespmem:$0x10020];
	_ =	swait.ge [sflag:s24], $0x2000  }
0x27: {  	s29 =	sand.u32 $0x3000, s2;
	s21 =	sand.u32 $0x380, s2;
	[sflag:s24] =	ssyncset.done $0x0  }
0x28: {  	s20 =	sor.u32 s21, s29;
	[sflag:s24] =	ssyncadd.s32 $0xFFFFE000  }
0x29: {  	v4 =	vld [tilespmem:s20+$0x470]  }
0x2a: {  	v3 =	vld [tilespmem:s20+$0x0]  }
0x2b: {  	v5 =	vld [tilespmem:s20+$0x10];
	_ =	sdelay $0x2  }
0x2c: {  	v6 =	vld [tilespmem:s20+$0x20];
	v9 =	vperm.xlane v2, v4  }
0x2d: {  	v11 =	vperm.xlane v0, v3  }
0x2e: {  	v13 =	vperm.xlane v0, v5;
	[tilespmem:s20+$0xC470] =	vst v9  }
0x2f: {  	v7 =	vld [tilespmem:s20+$0x30];
	v14 =	vperm.xlane v1, v5;
	[tilespmem:s20+$0x4000] =	vst v11  }
0x30: {  	v5 =	vperm.xlane v2, v5;
	[tilespmem:s20+$0x4010] =	vst v13  }
0x31: {  	v8 =	vld [tilespmem:s20+$0x40];
	v15 =	vperm.xlane v0, v6;
	[tilespmem:s20+$0x8010] =	vst v14  }
0x32: {  	v16 =	vperm.xlane v1, v6;
	[tilespmem:s20+$0xC010] =	vst v5  }
0x33: {  	v6 =	vperm.xlane v2, v6;
	[tilespmem:s20+$0x4020] =	vst v15  }
0x34: {  	v61 =	vperm.xlane v0, v7;
	[tilespmem:s20+$0x8020] =	vst v16  }
0x35: {  	v18 =	vperm.xlane v1, v7;
	[tilespmem:s20+$0xC020] =	vst v6  }
0x36: {  	v62 =	vperm.xlane v1, v8;
	[tilespmem:s20+$0x4030] =	vst v61  }
0x37: {  	v10 =	vld [tilespmem:s20+$0x50];
	v9 =	vperm.xlane v1, v3;
	[tilespmem:s20+$0x8030] =	vst v18  }
0x38: {  	v3 =	vperm.xlane v2, v3;
	[tilespmem:s20+$0x8040] =	vst v62  }
0x39: {  	v6 =	vperm.xlane v2, v7;
	[tilespmem:s20+$0x8000] =	vst v9  }
0x3a: {  	v12 =	vld [tilespmem:s20+$0x60];
	v7 =	vperm.xlane v0, v8;
	[tilespmem:s20+$0xC000] =	vst v3  }
0x3b: {  	[tilespmem:s20+$0xC030] =	vst v6;
	v6 =	vperm.xlane v2, v8  }
0x3c: {  	v5 =	vld [tilespmem:s20+$0x440];
	[tilespmem:s20+$0x4040] =	vst v7;
	v7 =	vperm.xlane v0, v10  }
0x3d: {  	v8 =	vperm.xlane v1, v10;
	[tilespmem:s20+$0xC040] =	vst v6  }
0x3e: {  	v11 =	vld [tilespmem:s20+$0x70];
	v6 =	vperm.xlane v2, v10;
	[tilespmem:s20+$0x4050] =	vst v7  }
0x3f: {  	v7 =	vperm.xlane v0, v12;
	[tilespmem:s20+$0x8050] =	vst v8  }
0x40: {  	v8 =	vperm.xlane v1, v12;
	[tilespmem:s20+$0xC050] =	vst v6  }
0x41: {  	v9 =	vld [tilespmem:s20+$0x400];
	v63 =	vperm.xlane v2, v5;
	[tilespmem:s20+$0x4060] =	vst v7  }
0x42: {  	v6 =	vperm.xlane v2, v12;
	[tilespmem:s20+$0x8060] =	vst v8  }
0x43: {  	v7 =	vperm.xlane v0, v11;
	[tilespmem:s20+$0xC440] =	vst v63  }
0x44: {  	v8 =	vperm.xlane v1, v11;
	[tilespmem:s20+$0xC060] =	vst v6  }
0x45: {  	v3 =	vld [tilespmem:s20+$0x410];
	v6 =	vperm.xlane v2, v11;
	[tilespmem:s20+$0x4070] =	vst v7  }
0x46: {  	v7 =	vperm.xlane v0, v9;
	[tilespmem:s20+$0x8070] =	vst v8  }
0x47: {  	v8 =	vperm.xlane v1, v9;
	[tilespmem:s20+$0xC070] =	vst v6  }
0x48: {  	v58 =	vld [tilespmem:s20+$0x420];
	v11 =	vperm.xlane v1, v5;
	[tilespmem:s20+$0x4400] =	vst v7  }
0x49: {  	v6 =	vperm.xlane v2, v9;
	[tilespmem:s20+$0x8400] =	vst v8  }
0x4a: {  	v59 =	vld [tilespmem:s20+$0x430];
	v7 =	vperm.xlane v0, v3;
	[tilespmem:s20+$0x8440] =	vst v11  }
0x4b: {  	v60 =	vld [tilespmem:s20+$0x450];
	v8 =	vperm.xlane v1, v3;
	[tilespmem:s20+$0xC400] =	vst v6  }
0x4c: {  	v3 =	vperm.xlane v2, v3;
	[tilespmem:s20+$0x4410] =	vst v7  }
0x4d: {  	v6 =	vperm.xlane v0, v58;
	[tilespmem:s20+$0x8410] =	vst v8  }
0x4e: {  	v17 =	vld [tilespmem:s20+$0x460];
	v7 =	vperm.xlane v1, v58;
	[tilespmem:s20+$0xC410] =	vst v3  }
0x4f: {  	v3 =	vperm.xlane v2, v58;
	[tilespmem:s20+$0x4420] =	vst v6  }
0x50: {  	v10 =	vperm.xlane v1, v60;
	v8 =	vperm.xlane v2, v59;
	[tilespmem:s20+$0x8420] =	vst v7  }
0x51: {  	v9 =	vperm.xlane v0, v60;
	v6 =	vperm.xlane v0, v59;
	[tilespmem:s20+$0xC420] =	vst v3  }
0x52: {  	v7 =	vperm.xlane v1, v59;
	v3 =	vperm.xlane v0, v4;
	[tilespmem:s20+$0xC430] =	vst v8  }
0x53: {  	v8 =	vperm.xlane v0, v17;
	[tilespmem:s20+$0x4430] =	vst v6;
	v6 =	vperm.xlane v0, v5  }
0x54: {  	s21 =	simm.s32 $0x80;
	s22 =	simm.s32 $0x200;
	v4 =	vperm.xlane v1, v4;
	[tilespmem:s20+$0x8430] =	vst v7;
	v7 =	vperm.xlane v2, v60  }
0x55: {  	s25 =	sand.u32 $0x3000, s22;
	s22 =	simm.s32 $0x400;
	s26 =	sand.u32 $0x380, s21;
	v5 =	vperm.xlane v1, v17;
	[tilespmem:s20+$0x4440] =	vst v6;
	v6 =	vperm.xlane v2, v17  }
.LBB2_2:
0x56: {  	p0 =	sne.s32 s22, $0x3200;
	s25 =	sor.u32 s26, s25;
	[tilespmem:s20+$0x4450] =	vst v9  }
0x57: {  	v11 =	vld [tilespmem:s25+$0x470];
	[tilespmem:s20+$0x8450] =	vst v10  }
0x58: {  	v9 =	vld [tilespmem:s25+$0x0];
	[tilespmem:s20+$0xC450] =	vst v7  }
0x59: {  	v7 =	vld [tilespmem:s25+$0x10];
	[tilespmem:s20+$0x4460] =	vst v8  }
0x5a: {  	v8 =	vld [tilespmem:s25+$0x20];
	[tilespmem:s20+$0x8460] =	vst v5  }
0x5b: {  	v5 =	vld [tilespmem:s25+$0x30];
	[tilespmem:s20+$0xC460] =	vst v6  }
0x5c: {  	v6 =	vld [tilespmem:s25+$0x40];
	v10 =	vperm.xlane v2, v11;
	[tilespmem:s20+$0x4470] =	vst v3;
	v3 =	vperm.xlane v0, v11  }
0x5d: {  	v12 =	vperm.xlane v0, v9;
	v13 =	vperm.xlane v1, v9;
	v14 =	vld [tilespmem:s25+$0x50];
	[tilespmem:s20+$0x8470] =	vst v4;
	s20 =	smov.u32 s25  }
0x5e: {  	v4 =	vperm.xlane v2, v9;
	v9 =	vperm.xlane v0, v7;
	v15 =	vld [tilespmem:s20+$0x60];
	[tilespmem:s20+$0xC470] =	vst v10  }
0x5f: {  	v10 =	vperm.xlane v1, v7;
	v7 =	vperm.xlane v2, v7;
	[tilespmem:s20+$0x4000] =	vst v12;
	v12 =	vld [tilespmem:s20+$0x70]  }
0x60: {  	v16 =	vperm.xlane v1, v8;
	[tilespmem:s20+$0x8000] =	vst v13;
	v13 =	vperm.xlane v0, v8;
	v17 =	vld [tilespmem:s20+$0x400]  }
0x61: {  	[tilespmem:s20+$0xC000] =	vst v4;
	v4 =	vperm.xlane v2, v8;
	v8 =	vperm.xlane v0, v5;
	v18 =	vld [tilespmem:s20+$0x410]  }
0x62: {  	[tilespmem:s20+$0x4010] =	vst v9;
	v9 =	vperm.xlane v1, v5;
	v5 =	vperm.xlane v2, v5;
	v19 =	vld [tilespmem:s20+$0x420]  }
0x63: {  	v20 =	vperm.xlane v1, v6;
	[tilespmem:s20+$0x8010] =	vst v10;
	v10 =	vperm.xlane v0, v6;
	v21 =	vld [tilespmem:s20+$0x430]  }
0x64: {  	v6 =	vperm.xlane v2, v6;
	[tilespmem:s20+$0xC010] =	vst v7;
	v7 =	vperm.xlane v0, v14;
	v22 =	vld [tilespmem:s20+$0x440]  }
0x65: {  	[tilespmem:s20+$0x4020] =	vst v13;
	v13 =	vperm.xlane v1, v14;
	v14 =	vperm.xlane v2, v14;
	v23 =	vld [tilespmem:s20+$0x450]  }
0x66: {  	v24 =	vperm.xlane v1, v15;
	[tilespmem:s20+$0x8020] =	vst v16;
	v16 =	vperm.xlane v0, v15;
	v25 =	vld [tilespmem:s20+$0x460]  }
0x67: {  	[tilespmem:s20+$0xC020] =	vst v4;
	v4 =	vperm.xlane v2, v15;
	v15 =	vperm.xlane v0, v12  }
0x68: {  	v26 =	vperm.xlane v1, v12;
	v12 =	vperm.xlane v2, v12;
	[tilespmem:s20+$0x4030] =	vst v8  }
0x69: {  	v27 =	vperm.xlane v0, v17;
	v28 =	vperm.xlane v1, v17;
	[tilespmem:s20+$0x8030] =	vst v9  }
0x6a: {  	v17 =	vperm.xlane v2, v17;
	v29 =	vperm.xlane v0, v18;
	[tilespmem:s20+$0xC030] =	vst v5  }
0x6b: {  	v30 =	vperm.xlane v1, v18;
	v18 =	vperm.xlane v2, v18;
	[tilespmem:s20+$0x4040] =	vst v10  }
0x6c: {  	v31 =	vperm.xlane v1, v19;
	[tilespmem:s20+$0x8040] =	vst v20;
	v20 =	vperm.xlane v0, v19  }
0x6d: {  	v32 =	vperm.xlane v0, v21;
	v19 =	vperm.xlane v2, v19;
	[tilespmem:s20+$0xC040] =	vst v6  }
0x6e: {  	v33 =	vperm.xlane v1, v21;
	v21 =	vperm.xlane v2, v21;
	[tilespmem:s20+$0x4050] =	vst v7  }
0x6f: {  	v34 =	vperm.xlane v1, v22;
	[tilespmem:s20+$0x8050] =	vst v13;
	v13 =	vperm.xlane v0, v22  }
0x70: {  	v9 =	vperm.xlane v0, v23;
	[tilespmem:s20+$0xC050] =	vst v14;
	v14 =	vperm.xlane v2, v22  }
0x71: {  	v10 =	vperm.xlane v1, v23;
	v7 =	vperm.xlane v2, v23;
	[tilespmem:s20+$0x4060] =	vst v16  }
0x72: {  	v8 =	vperm.xlane v0, v25;
	v5 =	vperm.xlane v1, v25;
	[tilespmem:s20+$0x8060] =	vst v24  }
0x73: {  	v6 =	vperm.xlane v2, v25;
	[tilespmem:s20+$0xC060] =	vst v4;
	v4 =	vperm.xlane v1, v11  }
0x74: {  	[tilespmem:s20+$0x4070] =	vst v15  }
0x75: {  	[tilespmem:s20+$0x8070] =	vst v26  }
0x76: {  	[tilespmem:s20+$0xC070] =	vst v12  }
0x77: {  	[tilespmem:s20+$0x4400] =	vst v27  }
0x78: {  	[tilespmem:s20+$0x8400] =	vst v28  }
0x79: {  	[tilespmem:s20+$0xC400] =	vst v17  }
0x7a: {  	[tilespmem:s20+$0x4410] =	vst v29  }
0x7b: {  	[tilespmem:s20+$0x8410] =	vst v30  }
0x7c: {  	[tilespmem:s20+$0xC410] =	vst v18  }
0x7d: {  	[tilespmem:s20+$0x4420] =	vst v20  }
0x7e: {  	[tilespmem:s20+$0x8420] =	vst v31  }
0x7f: {  	[tilespmem:s20+$0xC420] =	vst v19  }
0x80: {  	[tilespmem:s20+$0x4430] =	vst v32  }
.Ltmp0:
0x81: {  	[tilespmem:s20+$0x8430] =	vst v33;
	(pc) =	sbr.rel @p0 .LBB2_2-.Ltmp0, $4  }
0x82: {  	[tilespmem:s20+$0xC430] =	vst v21  }
0x83: {  	[tilespmem:s20+$0x4440] =	vst v13  }
0x84: {  	s21 =	sadd.s32 $0x80, s21;
	[tilespmem:s20+$0x8440] =	vst v34  }
0x85: {  	s26 =	sand.u32 $0x380, s21;
	s25 =	sand.u32 $0x3000, s22;
	s22 =	sadd.s32 $0x200, s22;
	[tilespmem:s20+$0xC440] =	vst v14  }
0x86: {  	s21 =	sor.u32 s26, s25;
	[tilespmem:s20+$0x4450] =	vst v9  }
0x87: {  	v9 =	vld [tilespmem:s21+$0x470];
	[tilespmem:s20+$0x8450] =	vst v10  }
0x88: {  	v10 =	vld [tilespmem:s21+$0x0];
	[tilespmem:s20+$0xC450] =	vst v7  }
0x89: {  	v7 =	vld [tilespmem:s21+$0x10];
	[tilespmem:s20+$0x4460] =	vst v8  }
0x8a: {  	v8 =	vld [tilespmem:s21+$0x20];
	[tilespmem:s20+$0x8460] =	vst v5  }
0x8b: {  	v5 =	vld [tilespmem:s21+$0x30];
	[tilespmem:s20+$0xC460] =	vst v6  }
0x8c: {  	v6 =	vld [tilespmem:s21+$0x40];
	[tilespmem:s20+$0x4470] =	vst v3;
	v3 =	vperm.xlane v2, v9  }
0x8d: {  	v11 =	vld [tilespmem:s21+$0x50];
	v12 =	vperm.xlane v0, v10;
	[tilespmem:s20+$0x8470] =	vst v4  }
0x8e: {  	v4 =	vperm.xlane v1, v10;
	[tilespmem:s21+$0xC470] =	vst v3  }
0x8f: {  	v3 =	vperm.xlane v2, v10;
	[tilespmem:s21+$0x4000] =	vst v12  }
0x90: {  	v47 =	vperm.xlane v0, v7;
	[tilespmem:s21+$0x8000] =	vst v4  }
0x91: {  	v4 =	vperm.xlane v1, v7;
	[tilespmem:s21+$0xC000] =	vst v3  }
0x92: {  	v3 =	vperm.xlane v2, v7;
	[tilespmem:s21+$0x4010] =	vst v47  }
0x93: {  	v7 =	vperm.xlane v0, v8;
	[tilespmem:s21+$0x8010] =	vst v4  }
0x94: {  	v4 =	vperm.xlane v1, v8;
	[tilespmem:s21+$0xC010] =	vst v3  }
0x95: {  	v3 =	vperm.xlane v2, v8;
	[tilespmem:s21+$0x4020] =	vst v7  }
0x96: {  	v7 =	vperm.xlane v0, v5;
	[tilespmem:s21+$0x8020] =	vst v4  }
0x97: {  	v4 =	vperm.xlane v1, v5;
	[tilespmem:s21+$0xC020] =	vst v3  }
0x98: {  	v3 =	vperm.xlane v2, v5;
	[tilespmem:s21+$0x4030] =	vst v7  }
0x99: {  	v5 =	vperm.xlane v0, v6;
	[tilespmem:s21+$0x8030] =	vst v4  }
0x9a: {  	v7 =	vperm.xlane v1, v6;
	v4 =	vld [tilespmem:s21+$0x60];
	[tilespmem:s21+$0xC030] =	vst v3  }
0x9b: {  	v3 =	vperm.xlane v2, v6;
	[tilespmem:s21+$0x4040] =	vst v5  }
0x9c: {  	v5 =	vperm.xlane v0, v11;
	[tilespmem:s21+$0x8040] =	vst v7  }
0x9d: {  	v6 =	vld [tilespmem:s21+$0x70];
	v7 =	vperm.xlane v1, v11;
	[tilespmem:s21+$0xC040] =	vst v3  }
0x9e: {  	v3 =	vperm.xlane v2, v11;
	[tilespmem:s21+$0x4050] =	vst v5  }
0x9f: {  	[tilespmem:s21+$0x8050] =	vst v7;
	v5 =	vperm.xlane v0, v4  }
0xa0: {  	v7 =	vld [tilespmem:s21+$0x400];
	v48 =	vperm.xlane v1, v4;
	[tilespmem:s21+$0xC050] =	vst v3  }
0xa1: {  	v3 =	vperm.xlane v2, v4;
	[tilespmem:s21+$0x4060] =	vst v5  }
0xa2: {  	v4 =	vperm.xlane v0, v6;
	[tilespmem:s21+$0x8060] =	vst v48  }
0xa3: {  	v49 =	vperm.xlane v1, v6;
	v5 =	vld [tilespmem:s21+$0x410];
	[tilespmem:s21+$0xC060] =	vst v3  }
0xa4: {  	v3 =	vperm.xlane v2, v6;
	[tilespmem:s21+$0x4070] =	vst v4  }
0xa5: {  	v4 =	vperm.xlane v0, v7;
	[tilespmem:s21+$0x8070] =	vst v49  }
0xa6: {  	v6 =	vld [tilespmem:s21+$0x420];
	v50 =	vperm.xlane v1, v7;
	[tilespmem:s21+$0xC070] =	vst v3  }
0xa7: {  	v3 =	vperm.xlane v2, v7;
	[tilespmem:s21+$0x4400] =	vst v4  }
0xa8: {  	[tilespmem:s21+$0x8400] =	vst v50;
	v4 =	vperm.xlane v0, v5  }
0xa9: {  	v7 =	vld [tilespmem:s21+$0x430];
	[tilespmem:s21+$0xC400] =	vst v3;
	v51 =	vperm.xlane v1, v5  }
0xaa: {  	v3 =	vperm.xlane v2, v5;
	[tilespmem:s21+$0x4410] =	vst v4  }
0xab: {  	v52 =	vperm.xlane v1, v6;
	[tilespmem:s21+$0x8410] =	vst v51  }
0xac: {  	v5 =	vld [tilespmem:s21+$0x440];
	v4 =	vperm.xlane v0, v6;
	[tilespmem:s21+$0xC410] =	vst v3  }
0xad: {  	v3 =	vperm.xlane v2, v6;
	[tilespmem:s21+$0x8420] =	vst v52  }
0xae: {  	v53 =	vperm.xlane v1, v7;
	[tilespmem:s21+$0x4420] =	vst v4  }
0xaf: {  	v6 =	vld [tilespmem:s21+$0x450];
	v4 =	vperm.xlane v0, v7;
	[tilespmem:s21+$0xC420] =	vst v3  }
0xb0: {  	v3 =	vperm.xlane v2, v7;
	[tilespmem:s21+$0x8430] =	vst v53  }
0xb1: {  	v54 =	vperm.xlane v1, v5;
	[tilespmem:s21+$0x4430] =	vst v4  }
0xb2: {  	v7 =	vld [tilespmem:s21+$0x460];
	v4 =	vperm.xlane v0, v5;
	[tilespmem:s21+$0xC430] =	vst v3  }
0xb3: {  	v3 =	vperm.xlane v2, v5;
	[tilespmem:s21+$0x8440] =	vst v54  }
0xb4: {  	v5 =	vperm.xlane v1, v6;
	[tilespmem:s21+$0x4440] =	vst v4  }
0xb5: {  	v4 =	vperm.xlane v0, v6;
	[tilespmem:s21+$0xC440] =	vst v3  }
0xb6: {  	v3 =	vperm.xlane v2, v6;
	[tilespmem:s21+$0x8450] =	vst v5  }
0xb7: {  	v5 =	vperm.xlane v1, v7;
	[tilespmem:s21+$0x4450] =	vst v4  }
0xb8: {  	v4 =	vperm.xlane v0, v7;
	[tilespmem:s21+$0xC450] =	vst v3  }
0xb9: {  	v3 =	vperm.xlane v2, v7;
	[tilespmem:s21+$0x8460] =	vst v5  }
0xba: {  	v5 =	vperm.xlane v1, v9;
	[tilespmem:s21+$0x4460] =	vst v4  }
0xbb: {  	v4 =	vperm.xlane v0, v9;
	[tilespmem:s21+$0xC460] =	vst v3  }
0xbc: {  	[tilespmem:s21+$0x8470] =	vst v5  }
0xbd: {  	s25 =	simm.s32 $0x4000;
	s20 =	simm.s32 $0x0;
	[tilespmem:s21+$0x4470] =	vst v4  }
0xbe: {  	[hbm4b:s6+s20] =	stream.linear.scatter [tilespmem:s25], [sflag:$0x3], $0x800, $0x38;
	[tilespmem:$0x10080] =	vst v63  }
0xbf: {  	s26 =	sadd.s32 $0x4000, s6;
	s22 =	simm.s32 $0x5000  }
0xc0: {  	[hbm4b:s26+s20] =	stream.linear.scatter [tilespmem:s22], [sflag:$0x3], $0x800, $0x38;
	[tilespmem:$0x10080] =	vst v63  }
0xc1: {  	s28 =	sadd.s32 $0x8000, s6;
	s29 =	simm.s32 $0x6000  }
0xc2: {  	[hbm4b:s28+s20] =	stream.linear.scatter [tilespmem:s29], [sflag:$0x3], $0x800, $0x38;
	[tilespmem:$0x10080] =	vst v63  }
0xc3: {  	s25 =	sadd.s32 $0xC000, s6;
	s26 =	simm.s32 $0x7000  }
0xc4: {  	[hbm4b:s25+s20] =	stream.linear.scatter [tilespmem:s26], [sflag:$0x3], $0x800, $0x38;
	[tilespmem:$0x10080] =	vst v63  }
0xc5: {  	s28 =	sadd.s32 $0x10000, s6;
	s29 =	simm.s32 $0x8000  }
0xc6: {  	[hbm4b:s28+s20] =	stream.linear.scatter [tilespmem:s29], [sflag:$0x3], $0x800, $0x38;
	[tilespmem:$0x10080] =	vst v63  }
0xc7: {  	s25 =	sadd.s32 $0x14000, s6;
	s26 =	simm.s32 $0x9000  }
0xc8: {  	[hbm4b:s25+s20] =	stream.linear.scatter [tilespmem:s26], [sflag:$0x3], $0x800, $0x38;
	[tilespmem:$0x10080] =	vst v63  }
0xc9: {  	s28 =	sadd.s32 $0x18000, s6;
	s29 =	simm.s32 $0xA000  }
0xca: {  	[hbm4b:s28+s20] =	stream.linear.scatter [tilespmem:s29], [sflag:$0x3], $0x800, $0x38;
	[tilespmem:$0x10080] =	vst v63  }
0xcb: {  	s25 =	sadd.s32 $0x1C000, s6;
	s26 =	simm.s32 $0xB000  }
0xcc: {  	[hbm4b:s25+s20] =	stream.linear.scatter [tilespmem:s26], [sflag:$0x3], $0x800, $0x38;
	[tilespmem:$0x10080] =	vst v63  }
0xcd: {  	s28 =	sadd.s32 $0x20000, s6;
	s29 =	simm.s32 $0xC000  }
0xce: {  	[hbm4b:s28+s20] =	stream.linear.scatter [tilespmem:s29], [sflag:$0x3], $0x800, $0x38;
	[tilespmem:$0x10080] =	vst v63  }
0xcf: {  	s25 =	sadd.s32 $0x24000, s6;
	s26 =	simm.s32 $0xD000  }
0xd0: {  	[hbm4b:s25+s20] =	stream.linear.scatter [tilespmem:s26], [sflag:$0x3], $0x800, $0x38;
	[tilespmem:$0x10080] =	vst v63  }
0xd1: {  	s28 =	sadd.s32 $0x28000, s6;
	s29 =	simm.s32 $0xE000  }
0xd2: {  	[hbm4b:s28+s20] =	stream.linear.scatter [tilespmem:s29], [sflag:$0x3], $0x800, $0x38;
	[tilespmem:$0x10080] =	vst v63  }
0xd3: {  	s22 =	sadd.s32 $0x2C000, s6;
	s25 =	simm.s32 $0xF000  }
0xd4: {  	[hbm4b:s22+s20] =	stream.linear.scatter [tilespmem:s25], [sflag:$0x3], $0x800, $0x38;
	[tilespmem:$0x10080] =	vst v63  }
0xd5: {  	_ =	swait.ge [sflag:s19], $0x2000  }
0xd6: {  	s26 =	sand.u32 $0x3000, s20;
	s28 =	sand.u32 $0x380, s20;
	[sflag:s19] =	ssyncset.done $0x0  }
0xd7: {  	s21 =	sor.u32 s28, s26;
	[sflag:s19] =	ssyncadd.s32 $0xFFFFE000  }
0xd8: {  	v3 =	vld [tilespmem:s21+$0xC00]  }
0xd9: {  	v4 =	vld [tilespmem:s21+$0x870];
	_ =	sdelay $0x2  }
0xda: {  	v55 =	vld [tilespmem:s21+$0x840]  }
0xdb: {  	v6 =	vld [tilespmem:s21+$0x800];
	v7 =	vperm.xlane v0, v3  }
0xdc: {  	v56 =	vld [tilespmem:s21+$0x830];
	v57 =	vperm.xlane v0, v4  }
0xdd: {  	v5 =	vld [tilespmem:s21+$0x810];
	v59 =	vperm.xlane v1, v4;
	[tilespmem:s21+$0x4C00] =	vst v7  }
0xde: {  	v4 =	vperm.xlane v2, v4;
	[tilespmem:s21+$0x4870] =	vst v57  }
0xdf: {  	v60 =	vperm.xlane v2, v55;
	[tilespmem:s21+$0x8870] =	vst v59  }
0xe0: {  	v61 =	vperm.xlane v2, v6;
	[tilespmem:s21+$0xC870] =	vst v4  }
0xe1: {  	v62 =	vperm.xlane v0, v56;
	[tilespmem:s21+$0xC840] =	vst v60  }
0xe2: {  	v7 =	vperm.xlane v2, v5;
	[tilespmem:s21+$0xC800] =	vst v61  }
0xe3: {  	v4 =	vperm.xlane v0, v5;
	[tilespmem:s21+$0x4830] =	vst v62  }
0xe4: {  	v58 =	vld [tilespmem:s21+$0x820];
	[tilespmem:s21+$0xC810] =	vst v7;
	v7 =	vperm.xlane v0, v6  }
0xe5: {  	[tilespmem:s21+$0x4810] =	vst v4;
	v4 =	vperm.xlane v1, v56  }
0xe6: {  	[tilespmem:s21+$0x4800] =	vst v7;
	v7 =	vperm.xlane v1, v55  }
0xe7: {  	v9 =	vperm.xlane v2, v56;
	[tilespmem:s21+$0x8830] =	vst v4  }
0xe8: {  	v4 =	vperm.xlane v1, v6;
	[tilespmem:s21+$0x8840] =	vst v7;
	v7 =	vld [tilespmem:s21+$0x860]  }
0xe9: {  	v63 =	vperm.xlane v2, v58;
	[tilespmem:s21+$0xC830] =	vst v9;
	v6 =	vld [tilespmem:s21+$0x850]  }
0xea: {  	[tilespmem:s21+$0x8800] =	vst v4;
	v4 =	vperm.xlane v0, v58  }
0xeb: {  	v5 =	vperm.xlane v1, v5;
	[tilespmem:s21+$0xC820] =	vst v63  }
0xec: {  	[tilespmem:s21+$0x4820] =	vst v4;
	v4 =	vperm.xlane v1, v58  }
0xed: {  	[tilespmem:s21+$0x8810] =	vst v5;
	v5 =	vperm.xlane v1, v7  }
0xee: {  	[tilespmem:s21+$0x8820] =	vst v4;
	v4 =	vperm.xlane v0, v6  }
0xef: {  	[tilespmem:s21+$0x8860] =	vst v5;
	v5 =	vperm.xlane v0, v7  }
0xf0: {  	[tilespmem:s21+$0x4850] =	vst v4;
	v4 =	vperm.xlane v2, v6  }
0xf1: {  	[tilespmem:s21+$0x4860] =	vst v5;
	v5 =	vperm.xlane v2, v7  }
0xf2: {  	s29 =	sand.u32 $0xFFFFF000, s20;
	[tilespmem:s21+$0xC850] =	vst v4;
	v7 =	vperm.xlane v1, v6  }
0xf3: {  	s22 =	sadd.s32 $0x0, s29;
	[tilespmem:s21+$0xC860] =	vst v5;
	v5 =	vperm.xlane v1, v3  }
0xf4: {  	s25 =	sor.u32 $0x4C00, s22;
	[tilespmem:s21+$0x8850] =	vst v7;
	v3 =	vperm.xlane v2, v3  }
0xf5: {  	s26 =	sor.u32 $0x8C00, s22;
	[tilespmem:s25+$0x4000] =	vst v5  }
0xf6: {  	[tilespmem:s26+$0x4000] =	vst v3  }
0xf7: {  	v3 =	vld [tilespmem:s21+$0xC10];
	_ =	sdelay $0x3  }
0xf8: {  	v4 =	vperm.xlane v0, v55  }
0xf9: {  	v5 =	vperm.xlane v0, v3  }
0xfa: {  	[tilespmem:s21+$0x4840] =	vst v4;
	v6 =	vperm.xlane v1, v3  }
0xfb: {  	v3 =	vperm.xlane v2, v3;
	[tilespmem:s21+$0x4C10] =	vst v5  }
0xfc: {  	[tilespmem:s25+$0x4010] =	vst v6  }
0xfd: {  	[tilespmem:s26+$0x4010] =	vst v3  }
0xfe: {  	v3 =	vld [tilespmem:s21+$0xC20];
	_ =	sdelay $0x4  }
0xff: {  	v4 =	vperm.xlane v0, v3  }
0x100: {  	v5 =	vperm.xlane v1, v3  }
0x101: {  	v3 =	vperm.xlane v2, v3;
	[tilespmem:s21+$0x4C20] =	vst v4  }
0x102: {  	[tilespmem:s25+$0x4020] =	vst v5  }
0x103: {  	[tilespmem:s26+$0x4020] =	vst v3  }
0x104: {  	v3 =	vld [tilespmem:s21+$0xC30];
	_ =	sdelay $0x4  }
0x105: {  	v4 =	vperm.xlane v0, v3  }
0x106: {  	v5 =	vperm.xlane v1, v3  }
0x107: {  	v3 =	vperm.xlane v2, v3;
	[tilespmem:s21+$0x4C30] =	vst v4  }
0x108: {  	[tilespmem:s25+$0x4030] =	vst v5  }
0x109: {  	[tilespmem:s26+$0x4030] =	vst v3  }
0x10a: {  	v3 =	vld [tilespmem:s21+$0xC40];
	_ =	sdelay $0x4  }
0x10b: {  	v4 =	vperm.xlane v0, v3  }
0x10c: {  	v5 =	vperm.xlane v1, v3  }
0x10d: {  	v3 =	vperm.xlane v2, v3;
	[tilespmem:s21+$0x4C40] =	vst v4  }
0x10e: {  	[tilespmem:s25+$0x4040] =	vst v5  }
0x10f: {  	[tilespmem:s26+$0x4040] =	vst v3  }
0x110: {  	v3 =	vld [tilespmem:s21+$0xC50];
	_ =	sdelay $0x4  }
0x111: {  	s22 =	simm.s32 $0x200;
	v5 =	vperm.xlane v0, v3;
	v4 =	vperm.xlane v1, v3  }
.LBB2_4:
0x112: {  	p0 =	sne.s32 s22, $0x3200  }
0x113: {  	v3 =	vperm.xlane v2, v3;
	s20 =	sadd.s32 $0x80, s20;
	s28 =	smov.u32 s22;
	s22 =	sadd.s32 $0x200, s22  }
0x114: {  	[tilespmem:s21+$0x4C50] =	vst v5  }
0x115: {  	[tilespmem:s25+$0x4050] =	vst v4  }
0x116: {  	[tilespmem:s26+$0x4050] =	vst v3  }
0x117: {  	v3 =	vld [tilespmem:s21+$0xC60];
	_ =	sdelay $0x4  }
0x118: {  	v4 =	vperm.xlane v0, v3;
	v5 =	vperm.xlane v1, v3  }
0x119: {  	v3 =	vperm.xlane v2, v3  }
0x11a: {  	[tilespmem:s21+$0x4C60] =	vst v4  }
0x11b: {  	[tilespmem:s25+$0x4060] =	vst v5  }
0x11c: {  	[tilespmem:s26+$0x4060] =	vst v3  }
0x11d: {  	v3 =	vld [tilespmem:s21+$0xC70];
	_ =	sdelay $0x4  }
0x11e: {  	v4 =	vperm.xlane v0, v3;
	v5 =	vperm.xlane v1, v3  }
0x11f: {  	v3 =	vperm.xlane v2, v3  }
0x120: {  	[tilespmem:s21+$0x4C70] =	vst v4  }
0x121: {  	s29 =	sand.u32 $0x380, s20;
	s21 =	sand.u32 $0x3000, s28;
	[tilespmem:s25+$0x4070] =	vst v5  }
0x122: {  	s21 =	sor.u32 s29, s21;
	[tilespmem:s26+$0x4070] =	vst v3  }
0x123: {  	v3 =	vld [tilespmem:s21+$0xC00]  }
0x124: {  	v4 =	vld [tilespmem:s21+$0x870]  }
0x125: {  	v5 =	vld [tilespmem:s21+$0x810]  }
0x126: {  	v6 =	vld [tilespmem:s21+$0x800];
	_ =	sdelay $0x1  }
0x127: {  	v7 =	vperm.xlane v0, v3  }
0x128: {  	v8 =	vld [tilespmem:s21+$0x840];
	v9 =	vperm.xlane v0, v4;
	v10 =	vperm.xlane v1, v4  }
0x129: {  	v4 =	vperm.xlane v2, v4;
	v11 =	vperm.xlane v2, v5;
	v12 =	vld [tilespmem:s21+$0x830];
	[tilespmem:s21+$0x4C00] =	vst v7  }
0x12a: {  	v13 =	vperm.xlane v0, v5;
	v7 =	vperm.xlane v1, v6;
	v14 =	vld [tilespmem:s21+$0x820];
	[tilespmem:s21+$0x4870] =	vst v9  }
0x12b: {  	v5 =	vperm.xlane v1, v5;
	v9 =	vperm.xlane v0, v6;
	[tilespmem:s21+$0xC810] =	vst v11  }
0x12c: {  	v6 =	vperm.xlane v2, v6;
	[tilespmem:s21+$0x8870] =	vst v10  }
0x12d: {  	v10 =	vperm.xlane v1, v8;
	v11 =	vperm.xlane v2, v8;
	[tilespmem:s21+$0xC870] =	vst v4  }
0x12e: {  	[tilespmem:s21+$0x4800] =	vst v9;
	v4 =	vperm.xlane v0, v12;
	v9 =	vperm.xlane v1, v12  }
0x12f: {  	v15 =	vperm.xlane v0, v14;
	v16 =	vperm.xlane v1, v14;
	[tilespmem:s21+$0xC840] =	vst v11  }
0x130: {  	v12 =	vperm.xlane v2, v12;
	v11 =	vperm.xlane v2, v14;
	[tilespmem:s21+$0x4810] =	vst v13  }
0x131: {  	v8 =	vperm.xlane v0, v8;
	[tilespmem:s21+$0x8840] =	vst v10;
	v10 =	vld [tilespmem:s21+$0x860]  }
0x132: {  	[tilespmem:s21+$0x8830] =	vst v9;
	v9 =	vld [tilespmem:s21+$0x850]  }
0x133: {  	[tilespmem:s21+$0xC800] =	vst v6  }
0x134: {  	[tilespmem:s21+$0x8800] =	vst v7  }
0x135: {  	[tilespmem:s21+$0x8810] =	vst v5  }
0x136: {  	[tilespmem:s21+$0x4830] =	vst v4;
	v4 =	vperm.xlane v0, v10;
	v5 =	vperm.xlane v1, v10  }
0x137: {  	[tilespmem:s21+$0x4820] =	vst v15;
	v6 =	vperm.xlane v0, v9;
	v7 =	vperm.xlane v1, v9  }
0x138: {  	v9 =	vperm.xlane v2, v9;
	[tilespmem:s21+$0x8860] =	vst v5;
	v5 =	vperm.xlane v2, v10  }
0x139: {  	[tilespmem:s21+$0xC830] =	vst v12  }
0x13a: {  	[tilespmem:s21+$0x8820] =	vst v16  }
0x13b: {  	[tilespmem:s21+$0x4860] =	vst v4  }
0x13c: {  	[tilespmem:s21+$0xC820] =	vst v11  }
0x13d: {  	s25 =	sand.u32 $0xFFFFF000, s28;
	[tilespmem:s21+$0x4850] =	vst v6  }
0x13e: {  	s26 =	sadd.s32 s25, s20;
	v4 =	vperm.xlane v1, v3;
	[tilespmem:s21+$0xC860] =	vst v5  }
0x13f: {  	s25 =	sor.u32 $0x4C00, s26;
	v3 =	vperm.xlane v2, v3;
	[tilespmem:s21+$0x8850] =	vst v7  }
0x140: {  	s26 =	sor.u32 $0x8C00, s26;
	[tilespmem:s21+$0xC850] =	vst v9  }
0x141: {  	[tilespmem:s25+$0x4000] =	vst v4  }
0x142: {  	[tilespmem:s26+$0x4000] =	vst v3  }
0x143: {  	v3 =	vld [tilespmem:s21+$0xC10];
	_ =	sdelay $0x4  }
0x144: {  	v4 =	vperm.xlane v0, v3;
	v5 =	vperm.xlane v1, v3  }
0x145: {  	v3 =	vperm.xlane v2, v3;
	[tilespmem:s21+$0x4840] =	vst v8  }
0x146: {  	[tilespmem:s21+$0x4C10] =	vst v4  }
0x147: {  	[tilespmem:s25+$0x4010] =	vst v5  }
0x148: {  	[tilespmem:s26+$0x4010] =	vst v3  }
0x149: {  	v3 =	vld [tilespmem:s21+$0xC20];
	_ =	sdelay $0x4  }
0x14a: {  	v4 =	vperm.xlane v0, v3;
	v5 =	vperm.xlane v1, v3  }
0x14b: {  	v3 =	vperm.xlane v2, v3  }
0x14c: {  	[tilespmem:s21+$0x4C20] =	vst v4  }
0x14d: {  	[tilespmem:s25+$0x4020] =	vst v5  }
0x14e: {  	[tilespmem:s26+$0x4020] =	vst v3  }
0x14f: {  	v3 =	vld [tilespmem:s21+$0xC30];
	_ =	sdelay $0x4  }
0x150: {  	v4 =	vperm.xlane v0, v3;
	v5 =	vperm.xlane v1, v3  }
0x151: {  	v3 =	vperm.xlane v2, v3  }
0x152: {  	[tilespmem:s21+$0x4C30] =	vst v4  }
0x153: {  	[tilespmem:s25+$0x4030] =	vst v5  }
0x154: {  	[tilespmem:s26+$0x4030] =	vst v3  }
0x155: {  	v3 =	vld [tilespmem:s21+$0xC40];
	_ =	sdelay $0x4  }
0x156: {  	v4 =	vperm.xlane v0, v3;
	v5 =	vperm.xlane v1, v3  }
0x157: {  	v3 =	vperm.xlane v2, v3  }
0x158: {  	[tilespmem:s21+$0x4C40] =	vst v4  }
0x159: {  	[tilespmem:s25+$0x4040] =	vst v5  }
0x15a: {  	[tilespmem:s26+$0x4040] =	vst v3  }
0x15b: {  	v3 =	vld [tilespmem:s21+$0xC50]  }
.Ltmp1:
0x15c: {  	(pc) =	sbr.rel @p0 .LBB2_4-.Ltmp1, $2  }
0x15d: {  	_ =	sdelay $0x2  }
0x15e: {  	v5 =	vperm.xlane v0, v3;
	v4 =	vperm.xlane v1, v3  }
0x15f: {  	_ = 	snop  }
0x160: {  	v3 =	vperm.xlane v2, v3;
	[tilespmem:s21+$0x4C50] =	vst v5  }
0x161: {  	[tilespmem:s25+$0x4050] =	vst v4  }
0x162: {  	[tilespmem:s26+$0x4050] =	vst v3  }
0x163: {  	v3 =	vld [tilespmem:s21+$0xC60];
	_ =	sdelay $0x4  }
0x164: {  	v59 =	vperm.xlane v0, v3  }
0x165: {  	v60 =	vperm.xlane v1, v3  }
0x166: {  	v3 =	vperm.xlane v2, v3;
	[tilespmem:s21+$0x4C60] =	vst v59  }
0x167: {  	[tilespmem:s25+$0x4060] =	vst v60  }
0x168: {  	[tilespmem:s26+$0x4060] =	vst v3  }
0x169: {  	v3 =	vld [tilespmem:s21+$0xC70];
	_ =	sdelay $0x4  }
0x16a: {  	v61 =	vperm.xlane v0, v3  }
0x16b: {  	v62 =	vperm.xlane v1, v3  }
0x16c: {  	v63 =	vperm.xlane v2, v3;
	[tilespmem:s21+$0x4C70] =	vst v61  }
0x16d: {  	[tilespmem:s25+$0x4070] =	vst v62  }
0x16e: {  	s20 =	simm.s32 $0x4800;
	[tilespmem:s26+$0x4070] =	vst v63  }
0x16f: {  	[hbm4b:s7+s2] =	stream.linear.scatter [tilespmem:s20], [sflag:$0x4], $0x800, $0x38;
	[tilespmem:$0x10080] =	vst v63  }
0x170: {  	s22 =	simm.s32 $0x5800;
	s21 =	sadd.s32 $0x4000, s7  }
0x171: {  	[hbm4b:s21+s2] =	stream.linear.scatter [tilespmem:s22], [sflag:$0x4], $0x800, $0x38;
	[tilespmem:$0x10080] =	vst v63  }
0x172: {  	s25 =	sadd.s32 $0x8000, s7;
	s26 =	simm.s32 $0x6800  }
0x173: {  	[hbm4b:s25+s2] =	stream.linear.scatter [tilespmem:s26], [sflag:$0x4], $0x800, $0x38;
	[tilespmem:$0x10080] =	vst v63  }
0x174: {  	s28 =	sadd.s32 $0xC000, s7;
	s29 =	simm.s32 $0x7800  }
0x175: {  	[hbm4b:s28+s2] =	stream.linear.scatter [tilespmem:s29], [sflag:$0x4], $0x800, $0x38;
	[tilespmem:$0x10080] =	vst v63  }
0x176: {  	s21 =	sadd.s32 $0x10000, s7;
	s22 =	simm.s32 $0x8800  }
0x177: {  	[hbm4b:s21+s2] =	stream.linear.scatter [tilespmem:s22], [sflag:$0x4], $0x800, $0x38;
	[tilespmem:$0x10080] =	vst v63  }
0x178: {  	s25 =	sadd.s32 $0x14000, s7;
	s26 =	simm.s32 $0x9800  }
0x179: {  	[hbm4b:s25+s2] =	stream.linear.scatter [tilespmem:s26], [sflag:$0x4], $0x800, $0x38;
	[tilespmem:$0x10080] =	vst v63  }
0x17a: {  	s28 =	sadd.s32 $0x18000, s7;
	s29 =	simm.s32 $0xA800  }
0x17b: {  	[hbm4b:s28+s2] =	stream.linear.scatter [tilespmem:s29], [sflag:$0x4], $0x800, $0x38;
	[tilespmem:$0x10080] =	vst v63  }
0x17c: {  	s22 =	sadd.s32 $0x1C000, s7  }
0x17d: {  	[hbm4b:s22+s2] =	stream.linear.scatter [tilespmem:s30], [sflag:$0x4], $0x800, $0x38;
	[tilespmem:$0x10080] =	vst v63  }
0x17e: {  	s25 =	sadd.s32 $0x20000, s7  }
0x17f: {  	[hbm4b:s25+s2] =	stream.linear.scatter [tilespmem:s31], [sflag:$0x4], $0x800, $0x38;
	[tilespmem:$0x10080] =	vst v63  }
0x180: {  	s26 =	sadd.s32 $0x24000, s7  }
0x181: {  	[hbm4b:s26+s2] =	stream.linear.scatter [tilespmem:s0], [sflag:$0x4], $0x800, $0x38;
	[tilespmem:$0x10080] =	vst v63  }
0x182: {  	s28 =	sadd.s32 $0x28000, s7  }
0x183: {  	[hbm4b:s28+s2] =	stream.linear.scatter [tilespmem:s1], [sflag:$0x4], $0x800, $0x38;
	[tilespmem:$0x10080] =	vst v63  }
0x184: {  	s18 =	sadd.s32 $0x1, s18;
	s29 =	sadd.s32 $0x2C000, s7  }
0x185: {  	[hbm4b:s29+s2] =	stream.linear.scatter [tilespmem:s15], [sflag:$0x4], $0x800, $0x38;
	[tilespmem:$0x10080] =	vst v63  }
0x186: {  	p0 =	sne.s32 s18, s8;
	_ =	swait.ge [sflag:s16], $0x6000  }
.Ltmp2:
0x187: {  	[sflag:s16] =	ssyncset.done $0x0;
	(pc) =	sbr.rel @p0 .LBB2_1-.Ltmp2, $4  }
0x188: {  	[sflag:s16] =	ssyncadd.s32 $0xFFFFA000  }
0x189: {  	_ =	swait.ge [sflag:s17], $0x6000  }
0x18a: {  	[sflag:s17] =	ssyncset.done $0x0  }
0x18b: {  	[sflag:s17] =	ssyncadd.s32 $0xFFFFA000  }
0x18c: {  	_ =	sfence.sel $0x180000  }
0x18d: {  	[bflag:$0x0] =	sbarrier.arrive $0xFFFF  }
0x18e: {  	_ =	strace $0x90000047  }
0x18f: {  	s0 =	stileid.u32;
	[bflag:$0x2] =	sbarrier.arrive $0xFFFF  }
0x190: {  	p0 =	sne.s32 s0, $0x0;
	s0 =	rddreg [dreg:$0x3]  }
0x191: {  	s0 =	sadd.s32 @!p0 $0x100000, s0  }
0x192: {  	[sflag:s0] =	ssyncadd.tile.s32 @!p0 $0x1;
	_ =	shalt  }
.Lfunc_end2:
_tile_overlayer_lowered:
.L_overlay_start_2:
0x193: {  	(tag) =	ssettag $0x2  }
0x194: {  	s0 =	rddreg [dreg:$0x0];
	s2 =	stileid.u32  }
0x195: {  	s1 =	rddreg [dreg:$0x1];
	p0 =	sne.s32 s2, $0x0  }
0x196: {  	s3 =	rddreg [dreg:$0x2];
	[bflag:$0x3] =	sbarrier.arrive $0xFFFF;
	s2 =	simm.s32 @!p0 $0x1C05  }
0x197: {  	[timem:s3], [sflag:s2] =	dma.local @!p0 [hbm:s0], s1  }
0x198: {  	s0 =	simm.s32 @!p0 $0x5  }
0x199: {  	_ =	swait.ge @!p0 [sflag:s0], s1  }
0x19a: {  	s1 =	ssub.s32 @!p0 $0x0, s1;
	[sflag:s0] =	ssyncset.done @!p0 $0x0  }
0x19b: {  	[sflag:s0] =	ssyncadd.s32 @!p0 s1  }
0x19c: {  	[bflag:$0x3] =	sbarrier.arrive $0xFFFF  }
0x19d: {  	_ =	shalt  }

</sc_bundles>
